<compile_context>
chip_gen: v7x
topology: tpu7x:2x2x1
jax: 0.10.2.dev20260603
libtpu: 0.0.44.dev20260713+nightly
codegen_flags: <defaults>
</compile_context>

<pallas_src>
import dataclasses

import jax
import jax.numpy as jnp
from jax import lax
from jax.experimental import pallas as pl
from jax.experimental.pallas import tpu as pltpu
from jax.experimental.pallas import tpu_sc as plsc

B, N, C = 4, 5000, 80
MAX_OUT = 100
IOU_THR = 0.7
SCORE_THR = 0.5
NEG = -1e9
BIG = 1 << 30
NPAD = 5120
CHUNK = 640
CVECS = CHUNK // 16
ZROW = B * N
FPAD = 128
VLOW = -3e38
BIGF = 3e38

_mesh = plsc.VectorSubcoreMesh(core_axis_name="c", subcore_axis_name="s")

_sc_params = pltpu.CompilerParams()
if "needs_layout_passes" in pltpu.CompilerParams.__dataclass_fields__:
    _sc_params = dataclasses.replace(_sc_params, needs_layout_passes=False)


def _sc_nms_body(y1h, x1h, y2h, x2h, sh,
                 selh, selgh, nvh, det5h,
                 y1f, x1f, y2f, x2f, live, livc,
                 y1c, x1c, y2c, x2c, areac, fidc,
                 stg, shb, cpb, sel_l, selg_l, det5_l, cnt, sem):
    c = lax.axis_index("c")
    s = lax.axis_index("s")
    g = s // 8
    b = 2 * c + g
    j = s % 8
    base = j * CHUNK
    lead = j == 0

    lane = lax.broadcasted_iota(jnp.int32, (16,), 0)

    pltpu.async_copy(y1h.at[b], y1f, sem).wait()
    pltpu.async_copy(x1h.at[b], x1f, sem).wait()
    pltpu.async_copy(y2h.at[b], y2f, sem).wait()
    pltpu.async_copy(x2h.at[b], x2f, sem).wait()
    pltpu.async_copy(sh.at[b, pl.ds(base, CHUNK)], live, sem).wait()

    @plsc.parallel_loop(0, CVECS)
    def _(i):
        ls = pl.ds(i * 16, 16)
        livc[ls] = jnp.full((16,), NEG, jnp.float32)
        fidc[ls] = jnp.full((16,), BIG, jnp.int32)

    def compact(i, n):
        ls = pl.ds(i * 16, 16)
        fs = pl.ds(base + i * 16, 16)
        sv = live[ls]
        msk = sv >= SCORE_THR
        cs = plsc.cumsum(jnp.where(msk, 1, 0))
        pos = cs + (n - 1)
        y1v = y1f[fs]
        x1v = x1f[fs]
        y2v = y2f[fs]
        x2v = x2f[fs]
        fidx = (base + i * 16) + lane
        plsc.store_scatter(livc, [pos], sv, mask=msk)
        plsc.store_scatter(y1c, [pos], y1v, mask=msk)
        plsc.store_scatter(x1c, [pos], x1v, mask=msk)
        plsc.store_scatter(y2c, [pos], y2v, mask=msk)
        plsc.store_scatter(x2c, [pos], x2v, mask=msk)
        plsc.store_scatter(areac, [pos], (y2v - y1v) * (x2v - x1v),
                           mask=msk)
        plsc.store_scatter(fidc, [pos], fidx, mask=msk)
        return n + jnp.max(cs)
    ncand = lax.fori_loop(0, CVECS, compact, 0)
    nvec = (ncand + 15) // 16

    @plsc.parallel_loop(0, 8)
    def _(i):
        ls = pl.ds(i * 16, 16)
        sel_l[ls] = jnp.zeros((16,), jnp.int32)
        selg_l[ls] = jnp.full((16,), ZROW, jnp.int32)
        z16 = jnp.zeros((16,), jnp.float32)
        det5_l[pl.ds(i * 16, 16)] = z16
        det5_l[pl.ds(128 + i * 16, 16)] = z16
        det5_l[pl.ds(256 + i * 16, 16)] = z16
        det5_l[pl.ds(384 + i * 16, 16)] = z16
        det5_l[pl.ds(512 + i * 16, 16)] = z16
    cnt[...] = jnp.zeros((16,), jnp.int32)

    def mx(i, carry):
        vm, vi = carry
        ls = pl.ds(i * 16, 16)
        v = livc[ls]
        upd = v > vm
        return jnp.where(upd, v, vm), jnp.where(upd, fidc[ls], vi)
    vmvi0 = lax.fori_loop(0, nvec, mx,
                          (jnp.full((16,), VLOW, jnp.float32),
                           jnp.full((16,), BIG, jnp.int32)))

    def round_body(it, vmvi):
        vm, vi = vmvi
        m = jnp.max(vm)
        lidx = jnp.min(jnp.where(vm == m, vi, BIG))

        p = (it % 2) * 512
        isj = lane == j
        stg[pl.ds(0, 16)] = jnp.where(isj, m, VLOW)
        stg[pl.ds(16, 16)] = jnp.where(isj, lidx.astype(jnp.float32), BIGF)
        pltpu.sync_copy(stg, shb.at[pl.ds(p + s * 32, 32)])
        plsc.subcore_barrier()
        pltpu.sync_copy(shb.at[pl.ds(p + g * 256, 256)], cpb)

        def cb(k, carry):
            cv, civ = carry
            return (jnp.maximum(cv, cpb[pl.ds(k * 32, 16)]),
                    jnp.minimum(civ, cpb[pl.ds(k * 32 + 16, 16)]))
        cv, civ = lax.fori_loop(0, 8, cb,
                                (jnp.full((16,), VLOW, jnp.float32),
                                 jnp.full((16,), BIGF, jnp.float32)))
        mimg = jnp.max(cv)
        gbest = jnp.min(jnp.where(cv == mimg, civ, BIGF)).astype(jnp.int32)
        ok = mimg > -5e8

        bidx = lane * 0 + gbest
        by1 = plsc.load_gather(y1f, [bidx])
        bx1 = plsc.load_gather(x1f, [bidx])
        by2 = plsc.load_gather(y2f, [bidx])
        bx2 = plsc.load_gather(x2f, [bidx])
        barea = (by2 - by1) * (bx2 - bx1)

        @plsc.parallel_loop(0, nvec, carry=(
            jnp.full((16,), VLOW, jnp.float32),
            jnp.full((16,), BIG, jnp.int32)))
        def sup_scan(i, carry):
            nvm, nvi = carry
            ls = pl.ds(i * 16, 16)
            lvv = livc[ls]
            iy1 = jnp.maximum(by1, y1c[ls])
            ix1 = jnp.maximum(bx1, x1c[ls])
            iy2 = jnp.minimum(by2, y2c[ls])
            ix2 = jnp.minimum(bx2, x2c[ls])
            inter = (jnp.maximum(iy2 - iy1, 0.0)
                     * jnp.maximum(ix2 - ix1, 0.0))
            sup = inter > IOU_THR * (barea + areac[ls] - inter + 1e-8)
            fidx = fidc[ls]
            hit = sup | (fidx == gbest)
            nlv = jnp.where(hit & ok, NEG, lvv)
            livc[ls] = nlv
            upd = nlv > nvm
            return jnp.where(upd, nlv, nvm), jnp.where(upd, fidx, nvi)

        @pl.when(lead)
        def _():
            row = it // 16
            ln = it % 16
            rs = pl.ds(row * 16, 16)
            isln = lane == ln
            sel_l[rs] = jnp.where(isln, jnp.where(ok, gbest, 0), sel_l[rs])
            selg_l[rs] = jnp.where(isln, jnp.where(ok, b * N + gbest, ZROW),
                                   selg_l[rs])
            okf = isln & ok
            r0 = pl.ds(row * 16, 16)
            r1 = pl.ds(128 + row * 16, 16)
            r2 = pl.ds(256 + row * 16, 16)
            r3 = pl.ds(384 + row * 16, 16)
            r4 = pl.ds(512 + row * 16, 16)
            det5_l[r0] = jnp.where(okf, by1, det5_l[r0])
            det5_l[r1] = jnp.where(okf, bx1, det5_l[r1])
            det5_l[r2] = jnp.where(okf, by2, det5_l[r2])
            det5_l[r3] = jnp.where(okf, bx2, det5_l[r3])
            det5_l[r4] = jnp.where(okf, mimg, det5_l[r4])
            cnt[...] = cnt[...] + jnp.where(ok, 1, 0)
        return sup_scan

    lax.fori_loop(0, MAX_OUT, round_body, vmvi0)

    @pl.when(lead)
    def _():
        pltpu.sync_copy(sel_l, selh.at[b])
        pltpu.sync_copy(selg_l, selgh.at[b])
        pltpu.sync_copy(cnt, nvh.at[b])
        pltpu.sync_copy(det5_l, det5h.at[b])


@jax.jit
def _sc_nms(y1, x1, y2, x2, sp):
    i32 = jnp.int32
    f32 = jnp.float32
    fn = pl.kernel(
        _sc_nms_body,
        out_type=[
            jax.ShapeDtypeStruct((B, 128), i32),
            jax.ShapeDtypeStruct((B, 128), i32),
            jax.ShapeDtypeStruct((B, 16), i32),
            jax.ShapeDtypeStruct((B, 640), f32),
        ],
        mesh=_mesh,
        compiler_params=_sc_params,
        scratch_types=[
            pltpu.VMEM((NPAD,), f32),
            pltpu.VMEM((NPAD,), f32),
            pltpu.VMEM((NPAD,), f32),
            pltpu.VMEM((NPAD,), f32),
            pltpu.VMEM((CHUNK,), f32),
            pltpu.VMEM((CHUNK,), f32),
            pltpu.VMEM((CHUNK,), f32),
            pltpu.VMEM((CHUNK,), f32),
            pltpu.VMEM((CHUNK,), f32),
            pltpu.VMEM((CHUNK,), f32),
            pltpu.VMEM((CHUNK,), f32),
            pltpu.VMEM((CHUNK,), i32),
            pltpu.VMEM((32,), f32),
            pltpu.VMEM_SHARED((1024,), f32),
            pltpu.VMEM((256,), f32),
            pltpu.VMEM((128,), i32),
            pltpu.VMEM((128,), i32),
            pltpu.VMEM((640,), f32),
            pltpu.VMEM((16,), i32),
            pltpu.SemaphoreType.DMA,
        ],
    )
    return fn(y1, x1, y2, x2, sp)


def _sc_gather_body(fullh, selgh, deth, idxv, rows, sem):
    c = lax.axis_index("c")
    s = lax.axis_index("s")
    w = s * 2 + c
    b = w // 8
    r = (w % 8) * 16
    pltpu.sync_copy(selgh.at[b, pl.ds(r, 16)], idxv)
    pltpu.async_copy(fullh.at[idxv], rows, sem).wait()
    pltpu.sync_copy(rows, deth.at[b, pl.ds(r, 16)])


@jax.jit
def _sc_gather(full, selg):
    fn = pl.kernel(
        _sc_gather_body,
        out_type=jax.ShapeDtypeStruct((B, 128, FPAD), jnp.float32),
        mesh=_mesh,
        compiler_params=_sc_params,
        scratch_types=[
            pltpu.VMEM((16,), jnp.int32),
            pltpu.VMEM((16, FPAD), jnp.float32),
            pltpu.SemaphoreType.DMA,
        ],
    )
    return fn(full, selg)


def _cls_body(c_ref, o_ref):
    x = c_ref[...]
    m = jnp.max(x, axis=-1, keepdims=True)
    iota = lax.broadcasted_iota(jnp.int32, (B, N, C), 2)
    o_ref[...] = jnp.min(jnp.where(x == m, iota, C), axis=-1)


def kernel(boxes, scores, cls_logits):
    padn = NPAD - N
    y1 = jnp.pad(boxes[..., 0], ((0, 0), (0, padn)))
    x1 = jnp.pad(boxes[..., 1], ((0, 0), (0, padn)))
    y2 = jnp.pad(boxes[..., 2], ((0, 0), (0, padn)))
    x2 = jnp.pad(boxes[..., 3], ((0, 0), (0, padn)))
    sp = jnp.pad(scores, ((0, 0), (0, padn)), constant_values=-1.0)

    cls128 = jnp.pad(cls_logits.reshape(B * N, C), ((0, 8), (0, FPAD - C)))

    cls_pred = pl.pallas_call(
        _cls_body,
        out_shape=jax.ShapeDtypeStruct((B, N), jnp.int32),
    )(cls_logits)

    sel2, selg, nv2, det5 = _sc_nms(y1, x1, y2, x2, sp)

    cls_g = _sc_gather(cls128, selg)

    det5_t = jnp.transpose(det5.reshape(B, 5, 128), (0, 2, 1))
    det = jnp.concatenate(
        [det5_t[:, :MAX_OUT, :], cls_g[:, :MAX_OUT, :C]], axis=-1)
    sel = sel2[:, :MAX_OUT]
    num_valid = nv2[:, 0]
    return det, sel, num_valid, cls_pred

# --- scband reference (transcript-rebuilt; emitter-appended) ---
"""Pipeline reference for scband-detector-78400333021669 (READ-ONLY COPY).

The authoritative reference and input builder live on the scoring server;
editing this copy changes nothing except your own understanding.
"""

import jax, jax.numpy as jnp
import numpy as np

B, N, C = 4, 5000, 80
MAX_OUT = 100
IOU_THR = 0.7
SCORE_THR = 0.5
NEG = jnp.float32(-1e9)


def _iou_one_vs_all(box, boxes):
    y1 = jnp.maximum(box[0], boxes[:, 0])
    x1 = jnp.maximum(box[1], boxes[:, 1])
    y2 = jnp.minimum(box[2], boxes[:, 2])
    x2 = jnp.minimum(box[3], boxes[:, 3])
    inter = jnp.maximum(y2 - y1, 0.0) * jnp.maximum(x2 - x1, 0.0)
    a1 = (box[2] - box[0]) * (box[3] - box[1])
    a2 = (boxes[:, 2] - boxes[:, 0]) * (boxes[:, 3] - boxes[:, 1])
    return inter / (a1 + a2 - inter + 1e-8)


def _nms_single(boxes, scores):
    n = boxes.shape[0]
    live = jnp.where(scores >= SCORE_THR, scores, NEG)
    sel0 = jnp.zeros((MAX_OUT,), jnp.int32)
    val0 = jnp.zeros((MAX_OUT,), jnp.bool_)

    def body(i, state):
        live, sel, val = state
        best = jnp.argmax(live)
        ok = live[best] > (NEG * 0.5)
        sel = sel.at[i].set(jnp.where(ok, best.astype(jnp.int32), 0))
        val = val.at[i].set(ok)
        ious = _iou_one_vs_all(boxes[best], boxes)
        suppress = (ious > IOU_THR) | (jnp.arange(n) == best)
        live = jnp.where(ok & suppress, NEG, live)
        return live, sel, val

    _, sel, val = jax.lax.fori_loop(0, MAX_OUT, body, (live, sel0, val0))
    return sel, val


def setup_inputs(seed: int = 0) -> dict:
    key = jax.random.key(seed)
    k1, k2, k3, k4 = jax.random.split(key, 4)
    yx = jax.random.uniform(k1, (B, N, 2), dtype=jnp.float32)
    hw = jax.random.uniform(k2, (B, N, 2), minval=0.01, maxval=0.2, dtype=jnp.float32)
    boxes = jnp.concatenate([yx, yx + hw], axis=-1)
    scores = jax.random.uniform(k3, (B, N), dtype=jnp.float32)
    cls_logits = jax.random.normal(k4, (B, N, C), dtype=jnp.float32)
    return {"boxes": boxes, "scores": scores, "cls_logits": cls_logits}


def reference(boxes, scores, cls_logits):
    # Mirrors Detector.detect: per-image greedy NMS (tf.image.non_max_suppression_padded
    # semantics with pad_to_max_output_size=True), then gathers detected boxes,
    # objectness scores and class logits for the selected indices.
    def single(b, s, c):
        sel, valid = _nms_single(b, s)
        det_boxes = b[sel]                      # [K, 4]  gather
        det_scores = s[sel]                     # [K]     gather
        det_cls = c[sel]                        # [K, C]  gather
        det = jnp.concatenate([det_boxes, det_scores[:, None], det_cls], axis=-1)
        det = det * valid[:, None].astype(det.dtype)
        num_valid = jnp.sum(valid.astype(jnp.int32))
        return det, sel, num_valid

    det, sel, num_valid = jax.vmap(single)(boxes, scores, cls_logits)
    cls_pred = jnp.argmax(cls_logits, axis=-1)
    return det, sel, num_valid, cls_pred

if __name__ == "__main__":
    import jax
    _d = setup_inputs()
    print(jax.jit(kernel)(*tuple(_d.values())))

</pallas_src>

<mosaic_0001>
#map = affine_map<(d0, d1) -> (0, 0)>
#map1 = affine_map<(d0, d1) -> (0)>
module attributes {stable_mosaic.version = 14 : i64} {
  func.func @_rewritten_body(%arg0: i32, %arg1: i32, %arg2: memref<4x5120xf32, #tpu.memory_space<hbm>>, %arg3: memref<4x5120xf32, #tpu.memory_space<hbm>>, %arg4: memref<4x5120xf32, #tpu.memory_space<hbm>>, %arg5: memref<4x5120xf32, #tpu.memory_space<hbm>>, %arg6: memref<4x5120xf32, #tpu.memory_space<hbm>>, %arg7: memref<1xf32, #tpu.memory_space<hbm>>, %arg8: memref<4x128xi32, #tpu.memory_space<hbm>>, %arg9: memref<4x128xi32, #tpu.memory_space<hbm>>, %arg10: memref<4x16xi32, #tpu.memory_space<hbm>>, %arg11: memref<4x640xf32, #tpu.memory_space<hbm>>, %arg12: memref<5120xf32, #tpu.memory_space<vmem>>, %arg13: memref<5120xf32, #tpu.memory_space<vmem>>, %arg14: memref<5120xf32, #tpu.memory_space<vmem>>, %arg15: memref<5120xf32, #tpu.memory_space<vmem>>, %arg16: memref<640xf32, #tpu.memory_space<vmem>>, %arg17: memref<640xf32, #tpu.memory_space<vmem>>, %arg18: memref<640xf32, #tpu.memory_space<vmem>>, %arg19: memref<640xf32, #tpu.memory_space<vmem>>, %arg20: memref<640xf32, #tpu.memory_space<vmem>>, %arg21: memref<640xf32, #tpu.memory_space<vmem>>, %arg22: memref<640xf32, #tpu.memory_space<vmem>>, %arg23: memref<640xi32, #tpu.memory_space<vmem>>, %arg24: memref<32xf32, #tpu.memory_space<vmem>>, %arg25: memref<1024xf32, #tpu.memory_space<vmem_shared>>, %arg26: memref<256xf32, #tpu.memory_space<vmem>>, %arg27: memref<128xi32, #tpu.memory_space<vmem>>, %arg28: memref<128xi32, #tpu.memory_space<vmem>>, %arg29: memref<640xf32, #tpu.memory_space<vmem>>, %arg30: memref<16xi32, #tpu.memory_space<vmem>>, %arg31: memref<!tpu.dma_semaphore, #tpu.memory_space<semaphore_mem>>) attributes {dimension_semantics = [#tpu.dimension_semantics<core_parallel>, #tpu.dimension_semantics<subcore_parallel>], iteration_bounds = array<i64: 2, 16>, scalar_prefetch = 0 : i64, scratch_operands = 20 : i64, tpu.core_type = #tpu.core_type<sc_vector_subcore>, window_params = [{transform_indices = #map}, {transform_indices = #map}, {transform_indices = #map}, {transform_indices = #map}, {transform_indices = #map}, {transform_indices = #map1}, {transform_indices = #map}, {transform_indices = #map}, {transform_indices = #map}, {transform_indices = #map}]} {
    %empty_ref3A = memref.alloca() : memref<16xf32, #tpu.memory_space<vmem>>
    "tpu.region"() ({
      %run_scoped3A = tpu.sem_alloc : memref<!tpu.dma_semaphore, #tpu.memory_space<semaphore_mem>>
      %dma_start3A_150 = arith.constant 0 : i32
      %dma_start3A_151 = tpu.memref_slice %empty_ref3A[%dma_start3A_150] : memref<16xf32, #tpu.memory_space<vmem>> -> memref<1xf32, #tpu.memory_space<vmem>>
      %dma_start3A_152 = arith.constant 0 : i32
      %dma_start3A_153 = tpu.memref_slice %empty_ref3A[%dma_start3A_152] : memref<16xf32, #tpu.memory_space<vmem>> -> memref<1xf32, #tpu.memory_space<vmem>>
      tpu.enqueue_dma source(%arg7 : memref<1xf32, #tpu.memory_space<hbm>>) target(%dma_start3A_153 : memref<1xf32, #tpu.memory_space<vmem>>) target_semaphore(%run_scoped3A : memref<!tpu.dma_semaphore, #tpu.memory_space<semaphore_mem>>)
      %dma_wait3A_154 = arith.constant 0 : i32
      %dma_wait3A_155 = tpu.memref_slice %empty_ref3A[%dma_wait3A_154] : memref<16xf32, #tpu.memory_space<vmem>> -> memref<1xf32, #tpu.memory_space<vmem>>
      %dma_wait3A_156 = arith.constant 0 : i32
      %dma_wait3A_157 = tpu.memref_slice %empty_ref3A[%dma_wait3A_156] : memref<16xf32, #tpu.memory_space<vmem>> -> memref<1xf32, #tpu.memory_space<vmem>>
      tpu.wait_dma2 semaphore(%run_scoped3A : memref<!tpu.dma_semaphore, #tpu.memory_space<semaphore_mem>>) src(%arg7 : memref<1xf32, #tpu.memory_space<hbm>>) dst(%dma_wait3A_157 : memref<1xf32, #tpu.memory_space<vmem>>)
      tpu.yield
    }) : () -> ()
    %get3A = arith.constant 0 : index
    %get3A_0 = tpu.vector_load %empty_ref3A[%get3A] {strides = array<i32>} : memref<16xf32, #tpu.memory_space<vmem>>, vector<16xf32>,
    %slice3A = vector.extract_strided_slice %get3A_0 {offsets = [0], sizes = [1], strides = [1]} : vector<16xf32> to vector<1xf32>
    %squeeze3A = vector.extract %slice3A[0] : f32 from vector<1xf32>
    %jit3A = arith.constant 8 : i32
    %div3A = arith.divsi %arg1, %jit3A : i32
    %sign3A = arith.constant 0 : i32
    %sign3A_1 = arith.cmpi sgt, %arg1, %sign3A : i32
    %sign3A_2 = arith.extui %sign3A_1 : i1 to i32
    %sign3A_3 = arith.constant 0 : i32
    %sign3A_4 = arith.cmpi slt, %arg1, %sign3A_3 : i32
    %sign3A_5 = arith.extui %sign3A_4 : i1 to i32
    %sign3A_6 = arith.subi %sign3A_2, %sign3A_5 : i32
    %sign3A_7 = arith.constant 0 : i32
    %sign3A_8 = arith.cmpi sgt, %jit3A, %sign3A_7 : i32
    %sign3A_9 = arith.extui %sign3A_8 : i1 to i32
    %sign3A_10 = arith.constant 0 : i32
    %sign3A_11 = arith.cmpi slt, %jit3A, %sign3A_10 : i32
    %sign3A_12 = arith.extui %sign3A_11 : i1 to i32
    %sign3A_13 = arith.subi %sign3A_9, %sign3A_12 : i32
    %ne3A = arith.cmpi ne, %sign3A_6, %sign3A_13 : i32
    %rem3A = arith.remsi %arg1, %jit3A : i32
    %ne3A_14 = arith.constant 0 : i32
    %ne3A_15 = arith.cmpi ne, %rem3A, %ne3A_14 : i32
    %and3A = arith.andi %ne3A, %ne3A_15 : i1
    %sub3A = arith.constant 1 : i32
    %sub3A_16 = arith.subi %div3A, %sub3A : i32
    %select_n3A = arith.select %and3A, %sub3A_16, %div3A : i32
    %mul3A = arith.constant 2 : i32
    %mul3A_17 = arith.muli %mul3A, %arg0 : i32
    %add3A = arith.addi %mul3A_17, %select_n3A : i32
    %jit3A_18 = arith.constant 8 : i32
    %eq3A = arith.constant 0 : i32
    %eq3A_19 = arith.cmpi eq, %jit3A_18, %eq3A : i32
    %jit3A_20 = arith.constant 1 : i32
    %select_n3A_21 = arith.select %eq3A_19, %jit3A_20, %jit3A_18 : i32
    %rem3A_22 = arith.remsi %arg1, %select_n3A_21 : i32
    %ne3A_23 = arith.constant 0 : i32
    %ne3A_24 = arith.cmpi ne, %rem3A_22, %ne3A_23 : i32
    %lt3A = arith.constant 0 : i32
    %lt3A_25 = arith.cmpi slt, %rem3A_22, %lt3A : i32
    %lt3A_26 = arith.constant 0 : i32
    %lt3A_27 = arith.cmpi slt, %select_n3A_21, %lt3A_26 : i32
    %ne3A_28 = arith.xori %lt3A_25, %lt3A_27 : i1
    %and3A_29 = arith.andi %ne3A_28, %ne3A_24 : i1
    %add3A_30 = arith.addi %rem3A_22, %select_n3A_21 : i32
    %select_n3A_31 = arith.select %and3A_29, %add3A_30, %rem3A_22 : i32
    %mul3A_32 = arith.constant 640 : i32
    %mul3A_33 = arith.muli %select_n3A_31, %mul3A_32 : i32
    %eq3A_34 = arith.constant 0 : i32
    %eq3A_35 = arith.cmpi eq, %select_n3A_31, %eq3A_34 : i32
    %iota3A = tpu.iota {dimensions = array<i32: 0>} : vector<16xi32>
    %dma_start3A = arith.constant 0 : i32
    %dma_start3A_36 = tpu.memref_slice %arg2[%add3A, %dma_start3A] : memref<4x5120xf32, #tpu.memory_space<hbm>> -> memref<1x5120xf32, #tpu.memory_space<hbm>>
    %dma_start3A_37 = tpu.memref_squeeze %dma_start3A_36 : memref<1x5120xf32, #tpu.memory_space<hbm>> -> memref<5120xf32, #tpu.memory_space<hbm>>
    %dma_start3A_38 = arith.constant 0 : i32
    %dma_start3A_39 = tpu.memref_slice %arg2[%add3A, %dma_start3A_38] : memref<4x5120xf32, #tpu.memory_space<hbm>> -> memref<1x5120xf32, #tpu.memory_space<hbm>>
    %dma_start3A_40 = tpu.memref_squeeze %dma_start3A_39 : memref<1x5120xf32, #tpu.memory_space<hbm>> -> memref<5120xf32, #tpu.memory_space<hbm>>
    tpu.enqueue_dma source(%dma_start3A_40 : memref<5120xf32, #tpu.memory_space<hbm>>) target(%arg12 : memref<5120xf32, #tpu.memory_space<vmem>>) target_semaphore(%arg31 : memref<!tpu.dma_semaphore, #tpu.memory_space<semaphore_mem>>)
    %dma_wait3A = arith.constant 0 : i32
    %dma_wait3A_41 = tpu.memref_slice %arg2[%add3A, %dma_wait3A] : memref<4x5120xf32, #tpu.memory_space<hbm>> -> memref<1x5120xf32, #tpu.memory_space<hbm>>
    %dma_wait3A_42 = tpu.memref_squeeze %dma_wait3A_41 : memref<1x5120xf32, #tpu.memory_space<hbm>> -> memref<5120xf32, #tpu.memory_space<hbm>>
    %dma_wait3A_43 = arith.constant 0 : i32
    %dma_wait3A_44 = tpu.memref_slice %arg2[%add3A, %dma_wait3A_43] : memref<4x5120xf32, #tpu.memory_space<hbm>> -> memref<1x5120xf32, #tpu.memory_space<hbm>>
    %dma_wait3A_45 = tpu.memref_squeeze %dma_wait3A_44 : memref<1x5120xf32, #tpu.memory_space<hbm>> -> memref<5120xf32, #tpu.memory_space<hbm>>
    tpu.wait_dma2 semaphore(%arg31 : memref<!tpu.dma_semaphore, #tpu.memory_space<semaphore_mem>>) src(%dma_wait3A_45 : memref<5120xf32, #tpu.memory_space<hbm>>) dst(%arg12 : memref<5120xf32, #tpu.memory_space<vmem>>)
    %dma_start3A_46 = arith.constant 0 : i32
    %dma_start3A_47 = tpu.memref_slice %arg3[%add3A, %dma_start3A_46] : memref<4x5120xf32, #tpu.memory_space<hbm>> -> memref<1x5120xf32, #tpu.memory_space<hbm>>
    %dma_start3A_48 = tpu.memref_squeeze %dma_start3A_47 : memref<1x5120xf32, #tpu.memory_space<hbm>> -> memref<5120xf32, #tpu.memory_space<hbm>>
    %dma_start3A_49 = arith.constant 0 : i32
    %dma_start3A_50 = tpu.memref_slice %arg3[%add3A, %dma_start3A_49] : memref<4x5120xf32, #tpu.memory_space<hbm>> -> memref<1x5120xf32, #tpu.memory_space<hbm>>
    %dma_start3A_51 = tpu.memref_squeeze %dma_start3A_50 : memref<1x5120xf32, #tpu.memory_space<hbm>> -> memref<5120xf32, #tpu.memory_space<hbm>>
    tpu.enqueue_dma source(%dma_start3A_51 : memref<5120xf32, #tpu.memory_space<hbm>>) target(%arg13 : memref<5120xf32, #tpu.memory_space<vmem>>) target_semaphore(%arg31 : memref<!tpu.dma_semaphore, #tpu.memory_space<semaphore_mem>>)
    %dma_wait3A_52 = arith.constant 0 : i32
    %dma_wait3A_53 = tpu.memref_slice %arg3[%add3A, %dma_wait3A_52] : memref<4x5120xf32, #tpu.memory_space<hbm>> -> memref<1x5120xf32, #tpu.memory_space<hbm>>
    %dma_wait3A_54 = tpu.memref_squeeze %dma_wait3A_53 : memref<1x5120xf32, #tpu.memory_space<hbm>> -> memref<5120xf32, #tpu.memory_space<hbm>>
    %dma_wait3A_55 = arith.constant 0 : i32
    %dma_wait3A_56 = tpu.memref_slice %arg3[%add3A, %dma_wait3A_55] : memref<4x5120xf32, #tpu.memory_space<hbm>> -> memref<1x5120xf32, #tpu.memory_space<hbm>>
    %dma_wait3A_57 = tpu.memref_squeeze %dma_wait3A_56 : memref<1x5120xf32, #tpu.memory_space<hbm>> -> memref<5120xf32, #tpu.memory_space<hbm>>
    tpu.wait_dma2 semaphore(%arg31 : memref<!tpu.dma_semaphore, #tpu.memory_space<semaphore_mem>>) src(%dma_wait3A_57 : memref<5120xf32, #tpu.memory_space<hbm>>) dst(%arg13 : memref<5120xf32, #tpu.memory_space<vmem>>)
    %dma_start3A_58 = arith.constant 0 : i32
    %dma_start3A_59 = tpu.memref_slice %arg4[%add3A, %dma_start3A_58] : memref<4x5120xf32, #tpu.memory_space<hbm>> -> memref<1x5120xf32, #tpu.memory_space<hbm>>
    %dma_start3A_60 = tpu.memref_squeeze %dma_start3A_59 : memref<1x5120xf32, #tpu.memory_space<hbm>> -> memref<5120xf32, #tpu.memory_space<hbm>>
    %dma_start3A_61 = arith.constant 0 : i32
    %dma_start3A_62 = tpu.memref_slice %arg4[%add3A, %dma_start3A_61] : memref<4x5120xf32, #tpu.memory_space<hbm>> -> memref<1x5120xf32, #tpu.memory_space<hbm>>
    %dma_start3A_63 = tpu.memref_squeeze %dma_start3A_62 : memref<1x5120xf32, #tpu.memory_space<hbm>> -> memref<5120xf32, #tpu.memory_space<hbm>>
    tpu.enqueue_dma source(%dma_start3A_63 : memref<5120xf32, #tpu.memory_space<hbm>>) target(%arg14 : memref<5120xf32, #tpu.memory_space<vmem>>) target_semaphore(%arg31 : memref<!tpu.dma_semaphore, #tpu.memory_space<semaphore_mem>>)
    %dma_wait3A_64 = arith.constant 0 : i32
    %dma_wait3A_65 = tpu.memref_slice %arg4[%add3A, %dma_wait3A_64] : memref<4x5120xf32, #tpu.memory_space<hbm>> -> memref<1x5120xf32, #tpu.memory_space<hbm>>
    %dma_wait3A_66 = tpu.memref_squeeze %dma_wait3A_65 : memref<1x5120xf32, #tpu.memory_space<hbm>> -> memref<5120xf32, #tpu.memory_space<hbm>>
    %dma_wait3A_67 = arith.constant 0 : i32
    %dma_wait3A_68 = tpu.memref_slice %arg4[%add3A, %dma_wait3A_67] : memref<4x5120xf32, #tpu.memory_space<hbm>> -> memref<1x5120xf32, #tpu.memory_space<hbm>>
    %dma_wait3A_69 = tpu.memref_squeeze %dma_wait3A_68 : memref<1x5120xf32, #tpu.memory_space<hbm>> -> memref<5120xf32, #tpu.memory_space<hbm>>
    tpu.wait_dma2 semaphore(%arg31 : memref<!tpu.dma_semaphore, #tpu.memory_space<semaphore_mem>>) src(%dma_wait3A_69 : memref<5120xf32, #tpu.memory_space<hbm>>) dst(%arg14 : memref<5120xf32, #tpu.memory_space<vmem>>)
    %dma_start3A_70 = arith.constant 0 : i32
    %dma_start3A_71 = tpu.memref_slice %arg5[%add3A, %dma_start3A_70] : memref<4x5120xf32, #tpu.memory_space<hbm>> -> memref<1x5120xf32, #tpu.memory_space<hbm>>
    %dma_start3A_72 = tpu.memref_squeeze %dma_start3A_71 : memref<1x5120xf32, #tpu.memory_space<hbm>> -> memref<5120xf32, #tpu.memory_space<hbm>>
    %dma_start3A_73 = arith.constant 0 : i32
    %dma_start3A_74 = tpu.memref_slice %arg5[%add3A, %dma_start3A_73] : memref<4x5120xf32, #tpu.memory_space<hbm>> -> memref<1x5120xf32, #tpu.memory_space<hbm>>
    %dma_start3A_75 = tpu.memref_squeeze %dma_start3A_74 : memref<1x5120xf32, #tpu.memory_space<hbm>> -> memref<5120xf32, #tpu.memory_space<hbm>>
    tpu.enqueue_dma source(%dma_start3A_75 : memref<5120xf32, #tpu.memory_space<hbm>>) target(%arg15 : memref<5120xf32, #tpu.memory_space<vmem>>) target_semaphore(%arg31 : memref<!tpu.dma_semaphore, #tpu.memory_space<semaphore_mem>>)
    %dma_wait3A_76 = arith.constant 0 : i32
    %dma_wait3A_77 = tpu.memref_slice %arg5[%add3A, %dma_wait3A_76] : memref<4x5120xf32, #tpu.memory_space<hbm>> -> memref<1x5120xf32, #tpu.memory_space<hbm>>
    %dma_wait3A_78 = tpu.memref_squeeze %dma_wait3A_77 : memref<1x5120xf32, #tpu.memory_space<hbm>> -> memref<5120xf32, #tpu.memory_space<hbm>>
    %dma_wait3A_79 = arith.constant 0 : i32
    %dma_wait3A_80 = tpu.memref_slice %arg5[%add3A, %dma_wait3A_79] : memref<4x5120xf32, #tpu.memory_space<hbm>> -> memref<1x5120xf32, #tpu.memory_space<hbm>>
    %dma_wait3A_81 = tpu.memref_squeeze %dma_wait3A_80 : memref<1x5120xf32, #tpu.memory_space<hbm>> -> memref<5120xf32, #tpu.memory_space<hbm>>
    tpu.wait_dma2 semaphore(%arg31 : memref<!tpu.dma_semaphore, #tpu.memory_space<semaphore_mem>>) src(%dma_wait3A_81 : memref<5120xf32, #tpu.memory_space<hbm>>) dst(%arg15 : memref<5120xf32, #tpu.memory_space<vmem>>)
    %dma_start3A_82 = tpu.memref_slice %arg6[%add3A, %mul3A_33] : memref<4x5120xf32, #tpu.memory_space<hbm>> -> memref<1x640xf32, #tpu.memory_space<hbm>>
    %dma_start3A_83 = tpu.memref_squeeze %dma_start3A_82 : memref<1x640xf32, #tpu.memory_space<hbm>> -> memref<640xf32, #tpu.memory_space<hbm>>
    %dma_start3A_84 = tpu.memref_slice %arg6[%add3A, %mul3A_33] : memref<4x5120xf32, #tpu.memory_space<hbm>> -> memref<1x640xf32, #tpu.memory_space<hbm>>
    %dma_start3A_85 = tpu.memref_squeeze %dma_start3A_84 : memref<1x640xf32, #tpu.memory_space<hbm>> -> memref<640xf32, #tpu.memory_space<hbm>>
    tpu.enqueue_dma source(%dma_start3A_85 : memref<640xf32, #tpu.memory_space<hbm>>) target(%arg16 : memref<640xf32, #tpu.memory_space<vmem>>) target_semaphore(%arg31 : memref<!tpu.dma_semaphore, #tpu.memory_space<semaphore_mem>>)
    %dma_wait3A_86 = tpu.memref_slice %arg6[%add3A, %mul3A_33] : memref<4x5120xf32, #tpu.memory_space<hbm>> -> memref<1x640xf32, #tpu.memory_space<hbm>>
    %dma_wait3A_87 = tpu.memref_squeeze %dma_wait3A_86 : memref<1x640xf32, #tpu.memory_space<hbm>> -> memref<640xf32, #tpu.memory_space<hbm>>
    %dma_wait3A_88 = tpu.memref_slice %arg6[%add3A, %mul3A_33] : memref<4x5120xf32, #tpu.memory_space<hbm>> -> memref<1x640xf32, #tpu.memory_space<hbm>>
    %dma_wait3A_89 = tpu.memref_squeeze %dma_wait3A_88 : memref<1x640xf32, #tpu.memory_space<hbm>> -> memref<640xf32, #tpu.memory_space<hbm>>
    tpu.wait_dma2 semaphore(%arg31 : memref<!tpu.dma_semaphore, #tpu.memory_space<semaphore_mem>>) src(%dma_wait3A_89 : memref<640xf32, #tpu.memory_space<hbm>>) dst(%arg16 : memref<640xf32, #tpu.memory_space<vmem>>)
    %parallel_loop3A = arith.constant 0 : i32
    %parallel_loop3A_90 = arith.constant 40 : i32
    %parallel_loop3A_91 = arith.constant 1 : i32
    scf.for %parallel_loop3A_150 = %parallel_loop3A to %parallel_loop3A_90 step %parallel_loop3A_91  : i32 {
      %parallel_loop3A_151 = arith.constant 16 : i32
      %parallel_loop3A_152 = arith.muli %parallel_loop3A_150, %parallel_loop3A_151 : i32
      %parallel_loop3A_153 = vector.broadcast %squeeze3A : f32 to vector<16xf32>
      %parallel_loop3A_154 = arith.index_cast %parallel_loop3A_152 : i32 to index
      %parallel_loop3A_155 = tpu.vector_load %arg17[%parallel_loop3A_154] {strides = array<i32>} : memref<640xf32, #tpu.memory_space<vmem>>, vector<16xf32>,
      tpu.vector_store %arg17[%parallel_loop3A_154], %parallel_loop3A_153 {strides = array<i32>} : memref<640xf32, #tpu.memory_space<vmem>>, vector<16xf32>,
      %parallel_loop3A_156 = arith.constant 1073741824 : i32
      %parallel_loop3A_157 = vector.broadcast %parallel_loop3A_156 : i32 to vector<16xi32>
      %parallel_loop3A_158 = arith.index_cast %parallel_loop3A_152 : i32 to index
      %parallel_loop3A_159 = tpu.vector_load %arg23[%parallel_loop3A_158] {strides = array<i32>} : memref<640xi32, #tpu.memory_space<vmem>>, vector<16xi32>,
      tpu.vector_store %arg23[%parallel_loop3A_158], %parallel_loop3A_157 {strides = array<i32>} : memref<640xi32, #tpu.memory_space<vmem>>, vector<16xi32>,
    } {sc.loop_unroll_factor = 1 : i64, sc.parallel_access}
    %scan3A = arith.constant 0 : i32
    %scan3A_92 = arith.constant 0 : i32
    %scan3A_93 = arith.constant 40 : i32
    %scan3A_94 = arith.addi %scan3A_92, %scan3A_93 : i32
    %scan3A_95 = arith.constant 1 : i32
    %scan3A_96 = scf.for %scan3A_150 = %scan3A_92 to %scan3A_94 step %scan3A_95 iter_args(%scan3A_151 = %scan3A) -> (i32)  : i32 {
      %mul3A_152 = arith.constant 16 : i32
      %mul3A_153 = arith.muli %scan3A_150, %mul3A_152 : i32
      %mul3A_154 = arith.constant 16 : i32
      %mul3A_155 = arith.muli %scan3A_150, %mul3A_154 : i32
      %add3A_156 = arith.addi %mul3A_33, %mul3A_155 : i32
      %get3A_157 = arith.index_cast %mul3A_153 : i32 to index
      %get3A_158 = tpu.vector_load %arg16[%get3A_157] {strides = array<i32>} : memref<640xf32, #tpu.memory_space<vmem>>, vector<16xf32>,
      %ge3A = arith.constant 5.000000e-01 : f32
      %ge3A_159 = vector.broadcast %ge3A : f32 to vector<16xf32>
      %ge3A_160 = arith.cmpf oge, %get3A_158, %ge3A_159 : vector<16xf32>
      %jit3A_161 = arith.constant 1 : i32
      %jit3A_162 = arith.constant 0 : i32
      %broadcast_in_dim3A_163 = vector.broadcast %jit3A_161 : i32 to vector<16xi32>
      %broadcast_in_dim3A_164 = vector.broadcast %jit3A_162 : i32 to vector<16xi32>
      %select_n3A_165 = arith.select %ge3A_160, %broadcast_in_dim3A_163, %broadcast_in_dim3A_164 : vector<16xi1>, vector<16xi32>
      %broadcast_in_dim3A_166 = arith.constant true
      %broadcast_in_dim3A_167 = vector.broadcast %broadcast_in_dim3A_166 : i1 to vector<16xi1>
      %masked_cumsum3A = tpu.scan <sum>, %select_n3A_165 masked %broadcast_in_dim3A_167 : vector<16xi32>, vector<16xi1> -> vector<16xi32>
      %sub3A_168 = arith.constant 1 : i32
      %sub3A_169 = arith.subi %scan3A_151, %sub3A_168 : i32
      %add3A_170 = vector.broadcast %sub3A_169 : i32 to vector<16xi32>
      %add3A_171 = arith.addi %masked_cumsum3A, %add3A_170 : vector<16xi32>
      %get3A_172 = arith.index_cast %add3A_156 : i32 to index
      %get3A_173 = tpu.vector_load %arg12[%get3A_172] {strides = array<i32>} : memref<5120xf32, #tpu.memory_space<vmem>>, vector<16xf32>,
      %get3A_174 = arith.index_cast %add3A_156 : i32 to index
      %get3A_175 = tpu.vector_load %arg13[%get3A_174] {strides = array<i32>} : memref<5120xf32, #tpu.memory_space<vmem>>, vector<16xf32>,
      %get3A_176 = arith.index_cast %add3A_156 : i32 to index
      %get3A_177 = tpu.vector_load %arg14[%get3A_176] {strides = array<i32>} : memref<5120xf32, #tpu.memory_space<vmem>>, vector<16xf32>,
      %get3A_178 = arith.index_cast %add3A_156 : i32 to index
      %get3A_179 = tpu.vector_load %arg15[%get3A_178] {strides = array<i32>} : memref<5120xf32, #tpu.memory_space<vmem>>, vector<16xf32>,
      %mul3A_180 = arith.constant 16 : i32
      %mul3A_181 = arith.muli %scan3A_150, %mul3A_180 : i32
      %add3A_182 = arith.addi %mul3A_33, %mul3A_181 : i32
      %add3A_183 = vector.broadcast %add3A_182 : i32 to vector<16xi32>
      %add3A_184 = arith.addi %add3A_183, %iota3A : vector<16xi32>
      tpu.vector_store_idx %arg17[%add3A_171], %get3A_158 masked %ge3A_160 : memref<640xf32, #tpu.memory_space<vmem>>[vector<16xi32>], vector<16xf32>, vector<16xi1>
      tpu.vector_store_idx %arg18[%add3A_171], %get3A_173 masked %ge3A_160 : memref<640xf32, #tpu.memory_space<vmem>>[vector<16xi32>], vector<16xf32>, vector<16xi1>
      tpu.vector_store_idx %arg19[%add3A_171], %get3A_175 masked %ge3A_160 : memref<640xf32, #tpu.memory_space<vmem>>[vector<16xi32>], vector<16xf32>, vector<16xi1>
      tpu.vector_store_idx %arg20[%add3A_171], %get3A_177 masked %ge3A_160 : memref<640xf32, #tpu.memory_space<vmem>>[vector<16xi32>], vector<16xf32>, vector<16xi1>
      tpu.vector_store_idx %arg21[%add3A_171], %get3A_179 masked %ge3A_160 : memref<640xf32, #tpu.memory_space<vmem>>[vector<16xi32>], vector<16xf32>, vector<16xi1>
      %sub3A_185 = arith.subf %get3A_177, %get3A_173 : vector<16xf32>
      %sub3A_186 = arith.subf %get3A_179, %get3A_175 : vector<16xf32>
      %mul3A_187 = arith.mulf %sub3A_185, %sub3A_186 : vector<16xf32>
      tpu.vector_store_idx %arg22[%add3A_171], %mul3A_187 masked %ge3A_160 : memref<640xf32, #tpu.memory_space<vmem>>[vector<16xi32>], vector<16xf32>, vector<16xi1>
      tpu.vector_store_idx %arg23[%add3A_171], %add3A_184 masked %ge3A_160 : memref<640xi32, #tpu.memory_space<vmem>>[vector<16xi32>], vector<16xi32>, vector<16xi1>
      %reduce_max3A = arith.constant true
      %reduce_max3A_188 = vector.broadcast %reduce_max3A : i1 to vector<16xi1>
      %reduce_max3A_189 = arith.constant -2147483648 : i32
      %reduce_max3A_190 = vector.broadcast %reduce_max3A_189 : i32 to vector<16xi32>
      %reduce_max3A_191 = arith.xori %masked_cumsum3A, %reduce_max3A_190 : vector<16xi32>
      %reduce_max3A_192 = tpu.scan <max>, %reduce_max3A_191 masked %reduce_max3A_188 : vector<16xi32>, vector<16xi1> -> vector<16xi32>
      %reduce_max3A_193 = arith.xori %reduce_max3A_192, %reduce_max3A_190 : vector<16xi32>
      %reduce_max3A_194 = vector.extract %reduce_max3A_193[15] : i32 from vector<16xi32>
      %add3A_195 = arith.addi %scan3A_151, %reduce_max3A_194 : i32
      scf.yield %add3A_195 : i32
    }
    %scan3A_97 = arith.constant 40 : i32
    %add3A_98 = arith.constant 15 : i32
    %add3A_99 = arith.addi %scan3A_96, %add3A_98 : i32
    %jit3A_100 = arith.constant 16 : i32
    %div3A_101 = arith.divsi %add3A_99, %jit3A_100 : i32
    %sign3A_102 = arith.constant 0 : i32
    %sign3A_103 = arith.cmpi sgt, %add3A_99, %sign3A_102 : i32
    %sign3A_104 = arith.extui %sign3A_103 : i1 to i32
    %sign3A_105 = arith.constant 0 : i32
    %sign3A_106 = arith.cmpi slt, %add3A_99, %sign3A_105 : i32
    %sign3A_107 = arith.extui %sign3A_106 : i1 to i32
    %sign3A_108 = arith.subi %sign3A_104, %sign3A_107 : i32
    %sign3A_109 = arith.constant 0 : i32
    %sign3A_110 = arith.cmpi sgt, %jit3A_100, %sign3A_109 : i32
    %sign3A_111 = arith.extui %sign3A_110 : i1 to i32
    %sign3A_112 = arith.constant 0 : i32
    %sign3A_113 = arith.cmpi slt, %jit3A_100, %sign3A_112 : i32
    %sign3A_114 = arith.extui %sign3A_113 : i1 to i32
    %sign3A_115 = arith.subi %sign3A_111, %sign3A_114 : i32
    %ne3A_116 = arith.cmpi ne, %sign3A_108, %sign3A_115 : i32
    %rem3A_117 = arith.remsi %add3A_99, %jit3A_100 : i32
    %ne3A_118 = arith.constant 0 : i32
    %ne3A_119 = arith.cmpi ne, %rem3A_117, %ne3A_118 : i32
    %and3A_120 = arith.andi %ne3A_116, %ne3A_119 : i1
    %sub3A_121 = arith.constant 1 : i32
    %sub3A_122 = arith.subi %div3A_101, %sub3A_121 : i32
    %select_n3A_123 = arith.select %and3A_120, %sub3A_122, %div3A_101 : i32
    %parallel_loop3A_124 = arith.constant 0 : i32
    %parallel_loop3A_125 = arith.constant 8 : i32
    %parallel_loop3A_126 = arith.constant 1 : i32
    scf.for %parallel_loop3A_150 = %parallel_loop3A_124 to %parallel_loop3A_125 step %parallel_loop3A_126  : i32 {
      %parallel_loop3A_151 = arith.constant 16 : i32
      %parallel_loop3A_152 = arith.muli %parallel_loop3A_150, %parallel_loop3A_151 : i32
      %parallel_loop3A_153 = arith.constant 0 : i32
      %parallel_loop3A_154 = vector.broadcast %parallel_loop3A_153 : i32 to vector<16xi32>
      %parallel_loop3A_155 = arith.index_cast %parallel_loop3A_152 : i32 to index
      %parallel_loop3A_156 = tpu.vector_load %arg27[%parallel_loop3A_155] {strides = array<i32>} : memref<128xi32, #tpu.memory_space<vmem>>, vector<16xi32>,
      tpu.vector_store %arg27[%parallel_loop3A_155], %parallel_loop3A_154 {strides = array<i32>} : memref<128xi32, #tpu.memory_space<vmem>>, vector<16xi32>,
      %parallel_loop3A_157 = arith.constant 20000 : i32
      %parallel_loop3A_158 = vector.broadcast %parallel_loop3A_157 : i32 to vector<16xi32>
      %parallel_loop3A_159 = arith.index_cast %parallel_loop3A_152 : i32 to index
      %parallel_loop3A_160 = tpu.vector_load %arg28[%parallel_loop3A_159] {strides = array<i32>} : memref<128xi32, #tpu.memory_space<vmem>>, vector<16xi32>,
      tpu.vector_store %arg28[%parallel_loop3A_159], %parallel_loop3A_158 {strides = array<i32>} : memref<128xi32, #tpu.memory_space<vmem>>, vector<16xi32>,
      %parallel_loop3A_161 = arith.constant 0.000000e+00 : f32
      %parallel_loop3A_162 = vector.broadcast %parallel_loop3A_161 : f32 to vector<16xf32>
      %parallel_loop3A_163 = arith.constant 16 : i32
      %parallel_loop3A_164 = arith.muli %parallel_loop3A_150, %parallel_loop3A_163 : i32
      %parallel_loop3A_165 = arith.index_cast %parallel_loop3A_164 : i32 to index
      %parallel_loop3A_166 = tpu.vector_load %arg29[%parallel_loop3A_165] {strides = array<i32>} : memref<640xf32, #tpu.memory_space<vmem>>, vector<16xf32>,
      tpu.vector_store %arg29[%parallel_loop3A_165], %parallel_loop3A_162 {strides = array<i32>} : memref<640xf32, #tpu.memory_space<vmem>>, vector<16xf32>,
      %parallel_loop3A_167 = arith.constant 16 : i32
      %parallel_loop3A_168 = arith.muli %parallel_loop3A_150, %parallel_loop3A_167 : i32
      %parallel_loop3A_169 = arith.constant 128 : i32
      %parallel_loop3A_170 = arith.addi %parallel_loop3A_169, %parallel_loop3A_168 : i32
      %parallel_loop3A_171 = arith.index_cast %parallel_loop3A_170 : i32 to index
      %parallel_loop3A_172 = tpu.vector_load %arg29[%parallel_loop3A_171] {strides = array<i32>} : memref<640xf32, #tpu.memory_space<vmem>>, vector<16xf32>,
      tpu.vector_store %arg29[%parallel_loop3A_171], %parallel_loop3A_162 {strides = array<i32>} : memref<640xf32, #tpu.memory_space<vmem>>, vector<16xf32>,
      %parallel_loop3A_173 = arith.constant 16 : i32
      %parallel_loop3A_174 = arith.muli %parallel_loop3A_150, %parallel_loop3A_173 : i32
      %parallel_loop3A_175 = arith.constant 256 : i32
      %parallel_loop3A_176 = arith.addi %parallel_loop3A_175, %parallel_loop3A_174 : i32
      %parallel_loop3A_177 = arith.index_cast %parallel_loop3A_176 : i32 to index
      %parallel_loop3A_178 = tpu.vector_load %arg29[%parallel_loop3A_177] {strides = array<i32>} : memref<640xf32, #tpu.memory_space<vmem>>, vector<16xf32>,
      tpu.vector_store %arg29[%parallel_loop3A_177], %parallel_loop3A_162 {strides = array<i32>} : memref<640xf32, #tpu.memory_space<vmem>>, vector<16xf32>,
      %parallel_loop3A_179 = arith.constant 16 : i32
      %parallel_loop3A_180 = arith.muli %parallel_loop3A_150, %parallel_loop3A_179 : i32
      %parallel_loop3A_181 = arith.constant 384 : i32
      %parallel_loop3A_182 = arith.addi %parallel_loop3A_181, %parallel_loop3A_180 : i32
      %parallel_loop3A_183 = arith.index_cast %parallel_loop3A_182 : i32 to index
      %parallel_loop3A_184 = tpu.vector_load %arg29[%parallel_loop3A_183] {strides = array<i32>} : memref<640xf32, #tpu.memory_space<vmem>>, vector<16xf32>,
      tpu.vector_store %arg29[%parallel_loop3A_183], %parallel_loop3A_162 {strides = array<i32>} : memref<640xf32, #tpu.memory_space<vmem>>, vector<16xf32>,
      %parallel_loop3A_185 = arith.constant 16 : i32
      %parallel_loop3A_186 = arith.muli %parallel_loop3A_150, %parallel_loop3A_185 : i32
      %parallel_loop3A_187 = arith.constant 512 : i32
      %parallel_loop3A_188 = arith.addi %parallel_loop3A_187, %parallel_loop3A_186 : i32
      %parallel_loop3A_189 = arith.index_cast %parallel_loop3A_188 : i32 to index
      %parallel_loop3A_190 = tpu.vector_load %arg29[%parallel_loop3A_189] {strides = array<i32>} : memref<640xf32, #tpu.memory_space<vmem>>, vector<16xf32>,
      tpu.vector_store %arg29[%parallel_loop3A_189], %parallel_loop3A_162 {strides = array<i32>} : memref<640xf32, #tpu.memory_space<vmem>>, vector<16xf32>,
    } {sc.loop_unroll_factor = 1 : i64, sc.parallel_access}
    %broadcast_in_dim3A = arith.constant 0 : i32
    %broadcast_in_dim3A_127 = vector.broadcast %broadcast_in_dim3A : i32 to vector<16xi32>
    %swap3A = arith.constant 0 : index
    %swap3A_128 = tpu.vector_load %arg30[%swap3A] {strides = array<i32>} : memref<16xi32, #tpu.memory_space<vmem>>, vector<16xi32>,
    tpu.vector_store %arg30[%swap3A], %broadcast_in_dim3A_127 {strides = array<i32>} : memref<16xi32, #tpu.memory_space<vmem>>, vector<16xi32>,
    %broadcast_in_dim3A_129 = arith.constant -3.000000e+38 : f32
    %broadcast_in_dim3A_130 = vector.broadcast %broadcast_in_dim3A_129 : f32 to vector<16xf32>
    %broadcast_in_dim3A_131 = arith.constant 1073741824 : i32
    %broadcast_in_dim3A_132 = vector.broadcast %broadcast_in_dim3A_131 : i32 to vector<16xi32>
    %while3A = arith.constant 0 : i32
    %while3A_133 = arith.subi %select_n3A_123, %while3A : i32
    %while3A_134 = arith.addi %while3A, %while3A_133 : i32
    %while3A_135 = arith.constant 1 : i32
    %while3A_136 = arith.divsi %while3A_133, %while3A_135 : i32
    %while3A_137 = arith.muli %while3A_136, %while3A_135 : i32
    %while3A_138 = arith.addi %while3A, %while3A_137 : i32
    %while3A_139 = arith.constant 1 : i32
    %while3A_140:2 = scf.for %while3A_150 = %while3A to %while3A_138 step %while3A_139 iter_args(%while3A_151 = %broadcast_in_dim3A_130, %while3A_152 = %broadcast_in_dim3A_132) -> (vector<16xf32>, vector<16xi32>)  : i32 {
      %mul3A_153 = arith.constant 16 : i32
      %mul3A_154 = arith.muli %while3A_150, %mul3A_153 : i32
      %get3A_155 = arith.index_cast %mul3A_154 : i32 to index
      %get3A_156 = tpu.vector_load %arg17[%get3A_155] {strides = array<i32>} : memref<640xf32, #tpu.memory_space<vmem>>, vector<16xf32>,
      %gt3A = arith.cmpf ogt, %get3A_156, %while3A_151 : vector<16xf32>
      %select_n3A_157 = arith.select %gt3A, %get3A_156, %while3A_151 : vector<16xi1>, vector<16xf32>
      %get3A_158 = arith.index_cast %mul3A_154 : i32 to index
      %get3A_159 = tpu.vector_load %arg23[%get3A_158] {strides = array<i32>} : memref<640xi32, #tpu.memory_space<vmem>>, vector<16xi32>,
      %select_n3A_160 = arith.select %gt3A, %get3A_159, %while3A_152 : vector<16xi1>, vector<16xi32>
      scf.yield %select_n3A_157, %select_n3A_160 : vector<16xf32>, vector<16xi32>
    }
    %while3A_141 = arith.constant 1 : i32
    %while3A_142:2 = scf.for %while3A_150 = %while3A_138 to %while3A_134 step %while3A_141 iter_args(%while3A_151 = %while3A_140#0, %while3A_152 = %while3A_140#1) -> (vector<16xf32>, vector<16xi32>)  : i32 {
      %mul3A_153 = arith.constant 16 : i32
      %mul3A_154 = arith.muli %while3A_150, %mul3A_153 : i32
      %get3A_155 = arith.index_cast %mul3A_154 : i32 to index
      %get3A_156 = tpu.vector_load %arg17[%get3A_155] {strides = array<i32>} : memref<640xf32, #tpu.memory_space<vmem>>, vector<16xf32>,
      %gt3A = arith.cmpf ogt, %get3A_156, %while3A_151 : vector<16xf32>
      %select_n3A_157 = arith.select %gt3A, %get3A_156, %while3A_151 : vector<16xi1>, vector<16xf32>
      %get3A_158 = arith.index_cast %mul3A_154 : i32 to index
      %get3A_159 = tpu.vector_load %arg23[%get3A_158] {strides = array<i32>} : memref<640xi32, #tpu.memory_space<vmem>>, vector<16xi32>,
      %select_n3A_160 = arith.select %gt3A, %get3A_159, %while3A_152 : vector<16xi1>, vector<16xi32>
      scf.yield %select_n3A_157, %select_n3A_160 : vector<16xf32>, vector<16xi32>
    }
    %scan3A_143 = arith.constant 0 : i32
    %scan3A_144 = arith.constant 100 : i32
    %scan3A_145 = arith.addi %scan3A_143, %scan3A_144 : i32
    %scan3A_146 = arith.constant 1 : i32
    %scan3A_147:2 = scf.for %scan3A_150 = %scan3A_143 to %scan3A_145 step %scan3A_146 iter_args(%scan3A_151 = %while3A_142#0, %scan3A_152 = %while3A_142#1) -> (vector<16xf32>, vector<16xi32>)  : i32 {
      %reduce_max3A = arith.constant true
      %reduce_max3A_153 = vector.broadcast %reduce_max3A : i1 to vector<16xi1>
      %reduce_max3A_154 = tpu.scan <max>, %scan3A_151 masked %reduce_max3A_153 : vector<16xf32>, vector<16xi1> -> vector<16xf32>
      %reduce_max3A_155 = vector.extract %reduce_max3A_154[15] : f32 from vector<16xf32>
      %eq3A_156 = vector.broadcast %reduce_max3A_155 : f32 to vector<16xf32>
      %eq3A_157 = arith.cmpf oeq, %scan3A_151, %eq3A_156 : vector<16xf32>
      %jit3A_158 = arith.constant 1073741824 : i32
      %broadcast_in_dim3A_159 = vector.broadcast %jit3A_158 : i32 to vector<16xi32>
      %select_n3A_160 = arith.select %eq3A_157, %scan3A_152, %broadcast_in_dim3A_159 : vector<16xi1>, vector<16xi32>
      %reduce_min3A = arith.constant true
      %reduce_min3A_161 = vector.broadcast %reduce_min3A : i1 to vector<16xi1>
      %reduce_min3A_162 = arith.constant -2147483648 : i32
      %reduce_min3A_163 = vector.broadcast %reduce_min3A_162 : i32 to vector<16xi32>
      %reduce_min3A_164 = arith.xori %select_n3A_160, %reduce_min3A_163 : vector<16xi32>
      %reduce_min3A_165 = tpu.scan <min>, %reduce_min3A_164 masked %reduce_min3A_161 : vector<16xi32>, vector<16xi1> -> vector<16xi32>
      %reduce_min3A_166 = arith.xori %reduce_min3A_165, %reduce_min3A_163 : vector<16xi32>
      %reduce_min3A_167 = vector.extract %reduce_min3A_166[15] : i32 from vector<16xi32>
      %jit3A_168 = arith.constant 2 : i32
      %eq3A_169 = arith.constant 0 : i32
      %eq3A_170 = arith.cmpi eq, %jit3A_168, %eq3A_169 : i32
      %jit3A_171 = arith.constant 1 : i32
      %select_n3A_172 = arith.select %eq3A_170, %jit3A_171, %jit3A_168 : i32
      %rem3A_173 = arith.remsi %scan3A_150, %select_n3A_172 : i32
      %ne3A_174 = arith.constant 0 : i32
      %ne3A_175 = arith.cmpi ne, %rem3A_173, %ne3A_174 : i32
      %lt3A_176 = arith.constant 0 : i32
      %lt3A_177 = arith.cmpi slt, %rem3A_173, %lt3A_176 : i32
      %lt3A_178 = arith.constant 0 : i32
      %lt3A_179 = arith.cmpi slt, %select_n3A_172, %lt3A_178 : i32
      %ne3A_180 = arith.xori %lt3A_177, %lt3A_179 : i1
      %and3A_181 = arith.andi %ne3A_180, %ne3A_175 : i1
      %add3A_182 = arith.addi %rem3A_173, %select_n3A_172 : i32
      %select_n3A_183 = arith.select %and3A_181, %add3A_182, %rem3A_173 : i32
      %mul3A_184 = arith.constant 512 : i32
      %mul3A_185 = arith.muli %select_n3A_183, %mul3A_184 : i32
      %eq3A_186 = vector.broadcast %select_n3A_31 : i32 to vector<16xi32>
      %eq3A_187 = arith.cmpi eq, %iota3A, %eq3A_186 : vector<16xi32>
      %jit3A_188 = arith.constant -3.000000e+38 : f32
      %broadcast_in_dim3A_189 = vector.broadcast %reduce_max3A_155 : f32 to vector<16xf32>
      %broadcast_in_dim3A_190 = vector.broadcast %jit3A_188 : f32 to vector<16xf32>
      %select_n3A_191 = arith.select %eq3A_187, %broadcast_in_dim3A_189, %broadcast_in_dim3A_190 : vector<16xi1>, vector<16xf32>
      %swap3A_192 = arith.constant 0 : index
      %swap3A_193 = tpu.vector_load %arg24[%swap3A_192] {strides = array<i32>} : memref<32xf32, #tpu.memory_space<vmem>>, vector<16xf32>,
      tpu.vector_store %arg24[%swap3A_192], %select_n3A_191 {strides = array<i32>} : memref<32xf32, #tpu.memory_space<vmem>>, vector<16xf32>,
      %convert_element_type3A_194 = arith.sitofp %reduce_min3A_167 : i32 to f32
      %jit3A_195 = arith.constant 3.000000e+38 : f32
      %broadcast_in_dim3A_196 = vector.broadcast %convert_element_type3A_194 : f32 to vector<16xf32>
      %broadcast_in_dim3A_197 = vector.broadcast %jit3A_195 : f32 to vector<16xf32>
      %select_n3A_198 = arith.select %eq3A_187, %broadcast_in_dim3A_196, %broadcast_in_dim3A_197 : vector<16xi1>, vector<16xf32>
      %swap3A_199 = arith.constant 16 : index
      %swap3A_200 = tpu.vector_load %arg24[%swap3A_199] {strides = array<i32>} : memref<32xf32, #tpu.memory_space<vmem>>, vector<16xf32>,
      tpu.vector_store %arg24[%swap3A_199], %select_n3A_198 {strides = array<i32>} : memref<32xf32, #tpu.memory_space<vmem>>, vector<16xf32>,
      %mul3A_201 = arith.constant 32 : i32
      %mul3A_202 = arith.muli %arg1, %mul3A_201 : i32
      %add3A_203 = arith.addi %mul3A_185, %mul3A_202 : i32
      "tpu.region"() ({
        %run_scoped3A = tpu.sem_alloc : memref<!tpu.dma_semaphore, #tpu.memory_space<semaphore_mem>>
        %dma_start3A_253 = tpu.memref_slice %arg25[%add3A_203] : memref<1024xf32, #tpu.memory_space<vmem_shared>> -> memref<32xf32, #tpu.memory_space<vmem_shared>>
        %dma_start3A_254 = tpu.memref_slice %arg25[%add3A_203] : memref<1024xf32, #tpu.memory_space<vmem_shared>> -> memref<32xf32, #tpu.memory_space<vmem_shared>>
        tpu.enqueue_dma source(%arg24 : memref<32xf32, #tpu.memory_space<vmem>>) target(%dma_start3A_254 : memref<32xf32, #tpu.memory_space<vmem_shared>>) target_semaphore(%run_scoped3A : memref<!tpu.dma_semaphore, #tpu.memory_space<semaphore_mem>>)
        %dma_wait3A_255 = tpu.memref_slice %arg25[%add3A_203] : memref<1024xf32, #tpu.memory_space<vmem_shared>> -> memref<32xf32, #tpu.memory_space<vmem_shared>>
        %dma_wait3A_256 = tpu.memref_slice %arg25[%add3A_203] : memref<1024xf32, #tpu.memory_space<vmem_shared>> -> memref<32xf32, #tpu.memory_space<vmem_shared>>
        tpu.wait_dma2 semaphore(%run_scoped3A : memref<!tpu.dma_semaphore, #tpu.memory_space<semaphore_mem>>) src(%arg24 : memref<32xf32, #tpu.memory_space<vmem>>) dst(%dma_wait3A_256 : memref<32xf32, #tpu.memory_space<vmem_shared>>)
        tpu.yield
      }) : () -> ()
      %barrier3A = arith.constant 0 : index
      tpu.barrier barrier_id(%barrier3A)
      %mul3A_204 = arith.constant 256 : i32
      %mul3A_205 = arith.muli %select_n3A, %mul3A_204 : i32
      %add3A_206 = arith.addi %mul3A_185, %mul3A_205 : i32
      "tpu.region"() ({
        %run_scoped3A = tpu.sem_alloc : memref<!tpu.dma_semaphore, #tpu.memory_space<semaphore_mem>>
        %dma_start3A_253 = tpu.memref_slice %arg25[%add3A_206] : memref<1024xf32, #tpu.memory_space<vmem_shared>> -> memref<256xf32, #tpu.memory_space<vmem_shared>>
        %dma_start3A_254 = tpu.memref_slice %arg25[%add3A_206] : memref<1024xf32, #tpu.memory_space<vmem_shared>> -> memref<256xf32, #tpu.memory_space<vmem_shared>>
        tpu.enqueue_dma source(%dma_start3A_254 : memref<256xf32, #tpu.memory_space<vmem_shared>>) target(%arg26 : memref<256xf32, #tpu.memory_space<vmem>>) target_semaphore(%run_scoped3A : memref<!tpu.dma_semaphore, #tpu.memory_space<semaphore_mem>>)
        %dma_wait3A_255 = tpu.memref_slice %arg25[%add3A_206] : memref<1024xf32, #tpu.memory_space<vmem_shared>> -> memref<256xf32, #tpu.memory_space<vmem_shared>>
        %dma_wait3A_256 = tpu.memref_slice %arg25[%add3A_206] : memref<1024xf32, #tpu.memory_space<vmem_shared>> -> memref<256xf32, #tpu.memory_space<vmem_shared>>
        tpu.wait_dma2 semaphore(%run_scoped3A : memref<!tpu.dma_semaphore, #tpu.memory_space<semaphore_mem>>) src(%dma_wait3A_256 : memref<256xf32, #tpu.memory_space<vmem_shared>>) dst(%arg26 : memref<256xf32, #tpu.memory_space<vmem>>)
        tpu.yield
      }) : () -> ()
      %broadcast_in_dim3A_207 = arith.constant -3.000000e+38 : f32
      %broadcast_in_dim3A_208 = vector.broadcast %broadcast_in_dim3A_207 : f32 to vector<16xf32>
      %broadcast_in_dim3A_209 = arith.constant 3.000000e+38 : f32
      %broadcast_in_dim3A_210 = vector.broadcast %broadcast_in_dim3A_209 : f32 to vector<16xf32>
      %scan3A_211 = arith.constant 0 : i32
      %scan3A_212 = arith.constant 8 : i32
      %scan3A_213 = arith.addi %scan3A_211, %scan3A_212 : i32
      %scan3A_214 = arith.constant 1 : i32
      %scan3A_215:2 = scf.for %scan3A_253 = %scan3A_211 to %scan3A_213 step %scan3A_214 iter_args(%scan3A_254 = %broadcast_in_dim3A_208, %scan3A_255 = %broadcast_in_dim3A_210) -> (vector<16xf32>, vector<16xf32>)  : i32 {
        %mul3A_256 = arith.constant 32 : i32
        %mul3A_257 = arith.muli %scan3A_253, %mul3A_256 : i32
        %get3A_258 = arith.index_cast %mul3A_257 : i32 to index
        %get3A_259 = tpu.vector_load %arg26[%get3A_258] {strides = array<i32>} : memref<256xf32, #tpu.memory_space<vmem>>, vector<16xf32>,
        %max3A = arith.maximumf %scan3A_254, %get3A_259 : vector<16xf32>
        %mul3A_260 = arith.constant 32 : i32
        %mul3A_261 = arith.muli %scan3A_253, %mul3A_260 : i32
        %add3A_262 = arith.constant 16 : i32
        %add3A_263 = arith.addi %mul3A_261, %add3A_262 : i32
        %get3A_264 = arith.index_cast %add3A_263 : i32 to index
        %get3A_265 = tpu.vector_load %arg26[%get3A_264] {strides = array<i32>} : memref<256xf32, #tpu.memory_space<vmem>>, vector<16xf32>,
        %min3A = arith.minimumf %scan3A_255, %get3A_265 : vector<16xf32>
        scf.yield %max3A, %min3A : vector<16xf32>, vector<16xf32>
      }
      %scan3A_216 = arith.constant 8 : i32
      %reduce_max3A_217 = arith.constant true
      %reduce_max3A_218 = vector.broadcast %reduce_max3A_217 : i1 to vector<16xi1>
      %reduce_max3A_219 = tpu.scan <max>, %scan3A_215#0 masked %reduce_max3A_218 : vector<16xf32>, vector<16xi1> -> vector<16xf32>
      %reduce_max3A_220 = vector.extract %reduce_max3A_219[15] : f32 from vector<16xf32>
      %eq3A_221 = vector.broadcast %reduce_max3A_220 : f32 to vector<16xf32>
      %eq3A_222 = arith.cmpf oeq, %scan3A_215#0, %eq3A_221 : vector<16xf32>
      %jit3A_223 = arith.constant 3.000000e+38 : f32
      %broadcast_in_dim3A_224 = vector.broadcast %jit3A_223 : f32 to vector<16xf32>
      %select_n3A_225 = arith.select %eq3A_222, %scan3A_215#1, %broadcast_in_dim3A_224 : vector<16xi1>, vector<16xf32>
      %reduce_min3A_226 = arith.constant true
      %reduce_min3A_227 = vector.broadcast %reduce_min3A_226 : i1 to vector<16xi1>
      %reduce_min3A_228 = tpu.scan <min>, %select_n3A_225 masked %reduce_min3A_227 : vector<16xf32>, vector<16xi1> -> vector<16xf32>
      %reduce_min3A_229 = vector.extract %reduce_min3A_228[15] : f32 from vector<16xf32>
      %convert_element_type3A_230 = arith.fptosi %reduce_min3A_229 : f32 to i32
      %gt3A = arith.constant -5.000000e+08 : f32
      %gt3A_231 = arith.cmpf ogt, %reduce_max3A_220, %gt3A : f32
      %mul3A_232 = arith.constant 0 : i32
      %mul3A_233 = vector.broadcast %mul3A_232 : i32 to vector<16xi32>
      %mul3A_234 = arith.muli %iota3A, %mul3A_233 : vector<16xi32>
      %add3A_235 = vector.broadcast %convert_element_type3A_230 : i32 to vector<16xi32>
      %add3A_236 = arith.addi %mul3A_234, %add3A_235 : vector<16xi32>
      %gather3A = tpu.vector_load_idx %arg12[%add3A_236] : memref<5120xf32, #tpu.memory_space<vmem>>[vector<16xi32>], vector<16xf32>,
      %gather3A_237 = tpu.vector_load_idx %arg13[%add3A_236] : memref<5120xf32, #tpu.memory_space<vmem>>[vector<16xi32>], vector<16xf32>,
      %gather3A_238 = tpu.vector_load_idx %arg14[%add3A_236] : memref<5120xf32, #tpu.memory_space<vmem>>[vector<16xi32>], vector<16xf32>,
      %gather3A_239 = tpu.vector_load_idx %arg15[%add3A_236] : memref<5120xf32, #tpu.memory_space<vmem>>[vector<16xi32>], vector<16xf32>,
      %sub3A_240 = arith.subf %gather3A_238, %gather3A : vector<16xf32>
      %sub3A_241 = arith.subf %gather3A_239, %gather3A_237 : vector<16xf32>
      %mul3A_242 = arith.mulf %sub3A_240, %sub3A_241 : vector<16xf32>
      %broadcast_in_dim3A_243 = arith.constant -3.000000e+38 : f32
      %broadcast_in_dim3A_244 = vector.broadcast %broadcast_in_dim3A_243 : f32 to vector<16xf32>
      %broadcast_in_dim3A_245 = arith.constant 1073741824 : i32
      %broadcast_in_dim3A_246 = vector.broadcast %broadcast_in_dim3A_245 : i32 to vector<16xi32>
      %parallel_loop3A_247 = arith.constant 0 : i32
      %parallel_loop3A_248 = arith.constant 1 : i32
      %parallel_loop3A_249:2 = scf.for %parallel_loop3A_253 = %parallel_loop3A_247 to %select_n3A_123 step %parallel_loop3A_248 iter_args(%parallel_loop3A_254 = %broadcast_in_dim3A_244, %parallel_loop3A_255 = %broadcast_in_dim3A_246) -> (vector<16xf32>, vector<16xi32>)  : i32 {
        %parallel_loop3A_256 = arith.constant 16 : i32
        %parallel_loop3A_257 = arith.muli %parallel_loop3A_253, %parallel_loop3A_256 : i32
        %parallel_loop3A_258 = arith.index_cast %parallel_loop3A_257 : i32 to index
        %parallel_loop3A_259 = tpu.vector_load %arg17[%parallel_loop3A_258] {strides = array<i32>} : memref<640xf32, #tpu.memory_space<vmem>>, vector<16xf32>,
        %parallel_loop3A_260 = arith.index_cast %parallel_loop3A_257 : i32 to index
        %parallel_loop3A_261 = tpu.vector_load %arg18[%parallel_loop3A_260] {strides = array<i32>} : memref<640xf32, #tpu.memory_space<vmem>>, vector<16xf32>,
        %parallel_loop3A_262 = arith.maximumf %gather3A, %parallel_loop3A_261 : vector<16xf32>
        %parallel_loop3A_263 = arith.index_cast %parallel_loop3A_257 : i32 to index
        %parallel_loop3A_264 = tpu.vector_load %arg19[%parallel_loop3A_263] {strides = array<i32>} : memref<640xf32, #tpu.memory_space<vmem>>, vector<16xf32>,
        %parallel_loop3A_265 = arith.maximumf %gather3A_237, %parallel_loop3A_264 : vector<16xf32>
        %parallel_loop3A_266 = arith.index_cast %parallel_loop3A_257 : i32 to index
        %parallel_loop3A_267 = tpu.vector_load %arg20[%parallel_loop3A_266] {strides = array<i32>} : memref<640xf32, #tpu.memory_space<vmem>>, vector<16xf32>,
        %parallel_loop3A_268 = arith.minimumf %gather3A_238, %parallel_loop3A_267 : vector<16xf32>
        %parallel_loop3A_269 = arith.index_cast %parallel_loop3A_257 : i32 to index
        %parallel_loop3A_270 = tpu.vector_load %arg21[%parallel_loop3A_269] {strides = array<i32>} : memref<640xf32, #tpu.memory_space<vmem>>, vector<16xf32>,
        %parallel_loop3A_271 = arith.minimumf %gather3A_239, %parallel_loop3A_270 : vector<16xf32>
        %parallel_loop3A_272 = arith.subf %parallel_loop3A_268, %parallel_loop3A_262 : vector<16xf32>
        %parallel_loop3A_273 = arith.constant 0.000000e+00 : f32
        %parallel_loop3A_274 = vector.broadcast %parallel_loop3A_273 : f32 to vector<16xf32>
        %parallel_loop3A_275 = arith.maximumf %parallel_loop3A_272, %parallel_loop3A_274 : vector<16xf32>
        %parallel_loop3A_276 = arith.subf %parallel_loop3A_271, %parallel_loop3A_265 : vector<16xf32>
        %parallel_loop3A_277 = arith.constant 0.000000e+00 : f32
        %parallel_loop3A_278 = vector.broadcast %parallel_loop3A_277 : f32 to vector<16xf32>
        %parallel_loop3A_279 = arith.maximumf %parallel_loop3A_276, %parallel_loop3A_278 : vector<16xf32>
        %parallel_loop3A_280 = arith.mulf %parallel_loop3A_275, %parallel_loop3A_279 : vector<16xf32>
        %parallel_loop3A_281 = arith.index_cast %parallel_loop3A_257 : i32 to index
        %parallel_loop3A_282 = tpu.vector_load %arg22[%parallel_loop3A_281] {strides = array<i32>} : memref<640xf32, #tpu.memory_space<vmem>>, vector<16xf32>,
        %parallel_loop3A_283 = arith.addf %mul3A_242, %parallel_loop3A_282 : vector<16xf32>
        %parallel_loop3A_284 = arith.subf %parallel_loop3A_283, %parallel_loop3A_280 : vector<16xf32>
        %parallel_loop3A_285 = arith.constant 9.99999993E-9 : f32
        %parallel_loop3A_286 = vector.broadcast %parallel_loop3A_285 : f32 to vector<16xf32>
        %parallel_loop3A_287 = arith.addf %parallel_loop3A_284, %parallel_loop3A_286 : vector<16xf32>
        %parallel_loop3A_288 = arith.constant 0.699999988 : f32
        %parallel_loop3A_289 = vector.broadcast %parallel_loop3A_288 : f32 to vector<16xf32>
        %parallel_loop3A_290 = arith.mulf %parallel_loop3A_289, %parallel_loop3A_287 : vector<16xf32>
        %parallel_loop3A_291 = arith.cmpf ogt, %parallel_loop3A_280, %parallel_loop3A_290 : vector<16xf32>
        %parallel_loop3A_292 = arith.index_cast %parallel_loop3A_257 : i32 to index
        %parallel_loop3A_293 = tpu.vector_load %arg23[%parallel_loop3A_292] {strides = array<i32>} : memref<640xi32, #tpu.memory_space<vmem>>, vector<16xi32>,
        %parallel_loop3A_294 = vector.broadcast %convert_element_type3A_230 : i32 to vector<16xi32>
        %parallel_loop3A_295 = arith.cmpi eq, %parallel_loop3A_293, %parallel_loop3A_294 : vector<16xi32>
        %parallel_loop3A_296 = arith.ori %parallel_loop3A_291, %parallel_loop3A_295 : vector<16xi1>
        %parallel_loop3A_297 = vector.broadcast %gt3A_231 : i1 to vector<16xi1>
        %parallel_loop3A_298 = arith.andi %parallel_loop3A_296, %parallel_loop3A_297 : vector<16xi1>
        %parallel_loop3A_299 = vector.broadcast %squeeze3A : f32 to vector<16xf32>
        %parallel_loop3A_300 = arith.select %parallel_loop3A_298, %parallel_loop3A_299, %parallel_loop3A_259 : vector<16xi1>, vector<16xf32>
        %parallel_loop3A_301 = arith.index_cast %parallel_loop3A_257 : i32 to index
        %parallel_loop3A_302 = tpu.vector_load %arg17[%parallel_loop3A_301] {strides = array<i32>} : memref<640xf32, #tpu.memory_space<vmem>>, vector<16xf32>,
        tpu.vector_store %arg17[%parallel_loop3A_301], %parallel_loop3A_300 {strides = array<i32>} : memref<640xf32, #tpu.memory_space<vmem>>, vector<16xf32>,
        %parallel_loop3A_303 = arith.cmpf ogt, %parallel_loop3A_300, %parallel_loop3A_254 : vector<16xf32>
        %parallel_loop3A_304 = arith.select %parallel_loop3A_303, %parallel_loop3A_300, %parallel_loop3A_254 : vector<16xi1>, vector<16xf32>
        %parallel_loop3A_305 = arith.select %parallel_loop3A_303, %parallel_loop3A_293, %parallel_loop3A_255 : vector<16xi1>, vector<16xi32>
        scf.yield %parallel_loop3A_304, %parallel_loop3A_305 : vector<16xf32>, vector<16xi32>
      } {sc.loop_unroll_factor = 1 : i64, sc.parallel_access}
      %convert_element_type3A_250 = arith.extui %eq3A_35 : i1 to i32
      %cond3A_251 = arith.constant 0 : i32
      %cond3A_252 = arith.cmpi ne, %convert_element_type3A_250, %cond3A_251 : i32
      scf.if %cond3A_252 {
        %jit3A_253 = arith.constant 16 : i32
        %div3A_254 = arith.divsi %scan3A_150, %jit3A_253 : i32
        %sign3A_255 = arith.constant 0 : i32
        %sign3A_256 = arith.cmpi sgt, %scan3A_150, %sign3A_255 : i32
        %sign3A_257 = arith.extui %sign3A_256 : i1 to i32
        %sign3A_258 = arith.constant 0 : i32
        %sign3A_259 = arith.cmpi slt, %scan3A_150, %sign3A_258 : i32
        %sign3A_260 = arith.extui %sign3A_259 : i1 to i32
        %sign3A_261 = arith.subi %sign3A_257, %sign3A_260 : i32
        %sign3A_262 = arith.constant 0 : i32
        %sign3A_263 = arith.cmpi sgt, %jit3A_253, %sign3A_262 : i32
        %sign3A_264 = arith.extui %sign3A_263 : i1 to i32
        %sign3A_265 = arith.constant 0 : i32
        %sign3A_266 = arith.cmpi slt, %jit3A_253, %sign3A_265 : i32
        %sign3A_267 = arith.extui %sign3A_266 : i1 to i32
        %sign3A_268 = arith.subi %sign3A_264, %sign3A_267 : i32
        %ne3A_269 = arith.cmpi ne, %sign3A_261, %sign3A_268 : i32
        %rem3A_270 = arith.remsi %scan3A_150, %jit3A_253 : i32
        %ne3A_271 = arith.constant 0 : i32
        %ne3A_272 = arith.cmpi ne, %rem3A_270, %ne3A_271 : i32
        %and3A_273 = arith.andi %ne3A_269, %ne3A_272 : i1
        %sub3A_274 = arith.constant 1 : i32
        %sub3A_275 = arith.subi %div3A_254, %sub3A_274 : i32
        %select_n3A_276 = arith.select %and3A_273, %sub3A_275, %div3A_254 : i32
        %jit3A_277 = arith.constant 16 : i32
        %eq3A_278 = arith.constant 0 : i32
        %eq3A_279 = arith.cmpi eq, %jit3A_277, %eq3A_278 : i32
        %jit3A_280 = arith.constant 1 : i32
        %select_n3A_281 = arith.select %eq3A_279, %jit3A_280, %jit3A_277 : i32
        %rem3A_282 = arith.remsi %scan3A_150, %select_n3A_281 : i32
        %ne3A_283 = arith.constant 0 : i32
        %ne3A_284 = arith.cmpi ne, %rem3A_282, %ne3A_283 : i32
        %lt3A_285 = arith.constant 0 : i32
        %lt3A_286 = arith.cmpi slt, %rem3A_282, %lt3A_285 : i32
        %lt3A_287 = arith.constant 0 : i32
        %lt3A_288 = arith.cmpi slt, %select_n3A_281, %lt3A_287 : i32
        %ne3A_289 = arith.xori %lt3A_286, %lt3A_288 : i1
        %and3A_290 = arith.andi %ne3A_289, %ne3A_284 : i1
        %add3A_291 = arith.addi %rem3A_282, %select_n3A_281 : i32
        %select_n3A_292 = arith.select %and3A_290, %add3A_291, %rem3A_282 : i32
        %mul3A_293 = arith.constant 16 : i32
        %mul3A_294 = arith.muli %select_n3A_276, %mul3A_293 : i32
        %eq3A_295 = vector.broadcast %select_n3A_292 : i32 to vector<16xi32>
        %eq3A_296 = arith.cmpi eq, %iota3A, %eq3A_295 : vector<16xi32>
        %jit3A_297 = arith.constant 0 : i32
        %select_n3A_298 = arith.select %gt3A_231, %convert_element_type3A_230, %jit3A_297 : i32
        %get3A_299 = arith.index_cast %mul3A_294 : i32 to index
        %get3A_300 = tpu.vector_load %arg27[%get3A_299] {strides = array<i32>} : memref<128xi32, #tpu.memory_space<vmem>>, vector<16xi32>,
        %broadcast_in_dim3A_301 = vector.broadcast %select_n3A_298 : i32 to vector<16xi32>
        %select_n3A_302 = arith.select %eq3A_296, %broadcast_in_dim3A_301, %get3A_300 : vector<16xi1>, vector<16xi32>
        %swap3A_303 = arith.index_cast %mul3A_294 : i32 to index
        %swap3A_304 = tpu.vector_load %arg27[%swap3A_303] {strides = array<i32>} : memref<128xi32, #tpu.memory_space<vmem>>, vector<16xi32>,
        tpu.vector_store %arg27[%swap3A_303], %select_n3A_302 {strides = array<i32>} : memref<128xi32, #tpu.memory_space<vmem>>, vector<16xi32>,
        %mul3A_305 = arith.constant 5000 : i32
        %mul3A_306 = arith.muli %add3A, %mul3A_305 : i32
        %add3A_307 = arith.addi %mul3A_306, %convert_element_type3A_230 : i32
        %jit3A_308 = arith.constant 20000 : i32
        %select_n3A_309 = arith.select %gt3A_231, %add3A_307, %jit3A_308 : i32
        %get3A_310 = arith.index_cast %mul3A_294 : i32 to index
        %get3A_311 = tpu.vector_load %arg28[%get3A_310] {strides = array<i32>} : memref<128xi32, #tpu.memory_space<vmem>>, vector<16xi32>,
        %broadcast_in_dim3A_312 = vector.broadcast %select_n3A_309 : i32 to vector<16xi32>
        %select_n3A_313 = arith.select %eq3A_296, %broadcast_in_dim3A_312, %get3A_311 : vector<16xi1>, vector<16xi32>
        %swap3A_314 = arith.index_cast %mul3A_294 : i32 to index
        %swap3A_315 = tpu.vector_load %arg28[%swap3A_314] {strides = array<i32>} : memref<128xi32, #tpu.memory_space<vmem>>, vector<16xi32>,
        tpu.vector_store %arg28[%swap3A_314], %select_n3A_313 {strides = array<i32>} : memref<128xi32, #tpu.memory_space<vmem>>, vector<16xi32>,
        %and3A_316 = vector.broadcast %gt3A_231 : i1 to vector<16xi1>
        %and3A_317 = arith.andi %eq3A_296, %and3A_316 : vector<16xi1>
        %mul3A_318 = arith.constant 16 : i32
        %mul3A_319 = arith.muli %select_n3A_276, %mul3A_318 : i32
        %mul3A_320 = arith.constant 16 : i32
        %mul3A_321 = arith.muli %select_n3A_276, %mul3A_320 : i32
        %add3A_322 = arith.constant 128 : i32
        %add3A_323 = arith.addi %add3A_322, %mul3A_321 : i32
        %mul3A_324 = arith.constant 16 : i32
        %mul3A_325 = arith.muli %select_n3A_276, %mul3A_324 : i32
        %add3A_326 = arith.constant 256 : i32
        %add3A_327 = arith.addi %add3A_326, %mul3A_325 : i32
        %mul3A_328 = arith.constant 16 : i32
        %mul3A_329 = arith.muli %select_n3A_276, %mul3A_328 : i32
        %add3A_330 = arith.constant 384 : i32
        %add3A_331 = arith.addi %add3A_330, %mul3A_329 : i32
        %mul3A_332 = arith.constant 16 : i32
        %mul3A_333 = arith.muli %select_n3A_276, %mul3A_332 : i32
        %add3A_334 = arith.constant 512 : i32
        %add3A_335 = arith.addi %add3A_334, %mul3A_333 : i32
        %get3A_336 = arith.index_cast %mul3A_319 : i32 to index
        %get3A_337 = tpu.vector_load %arg29[%get3A_336] {strides = array<i32>} : memref<640xf32, #tpu.memory_space<vmem>>, vector<16xf32>,
        %select_n3A_338 = arith.select %and3A_317, %gather3A, %get3A_337 : vector<16xi1>, vector<16xf32>
        %swap3A_339 = arith.index_cast %mul3A_319 : i32 to index
        %swap3A_340 = tpu.vector_load %arg29[%swap3A_339] {strides = array<i32>} : memref<640xf32, #tpu.memory_space<vmem>>, vector<16xf32>,
        tpu.vector_store %arg29[%swap3A_339], %select_n3A_338 {strides = array<i32>} : memref<640xf32, #tpu.memory_space<vmem>>, vector<16xf32>,
        %get3A_341 = arith.index_cast %add3A_323 : i32 to index
        %get3A_342 = tpu.vector_load %arg29[%get3A_341] {strides = array<i32>} : memref<640xf32, #tpu.memory_space<vmem>>, vector<16xf32>,
        %select_n3A_343 = arith.select %and3A_317, %gather3A_237, %get3A_342 : vector<16xi1>, vector<16xf32>
        %swap3A_344 = arith.index_cast %add3A_323 : i32 to index
        %swap3A_345 = tpu.vector_load %arg29[%swap3A_344] {strides = array<i32>} : memref<640xf32, #tpu.memory_space<vmem>>, vector<16xf32>,
        tpu.vector_store %arg29[%swap3A_344], %select_n3A_343 {strides = array<i32>} : memref<640xf32, #tpu.memory_space<vmem>>, vector<16xf32>,
        %get3A_346 = arith.index_cast %add3A_327 : i32 to index
        %get3A_347 = tpu.vector_load %arg29[%get3A_346] {strides = array<i32>} : memref<640xf32, #tpu.memory_space<vmem>>, vector<16xf32>,
        %select_n3A_348 = arith.select %and3A_317, %gather3A_238, %get3A_347 : vector<16xi1>, vector<16xf32>
        %swap3A_349 = arith.index_cast %add3A_327 : i32 to index
        %swap3A_350 = tpu.vector_load %arg29[%swap3A_349] {strides = array<i32>} : memref<640xf32, #tpu.memory_space<vmem>>, vector<16xf32>,
        tpu.vector_store %arg29[%swap3A_349], %select_n3A_348 {strides = array<i32>} : memref<640xf32, #tpu.memory_space<vmem>>, vector<16xf32>,
        %get3A_351 = arith.index_cast %add3A_331 : i32 to index
        %get3A_352 = tpu.vector_load %arg29[%get3A_351] {strides = array<i32>} : memref<640xf32, #tpu.memory_space<vmem>>, vector<16xf32>,
        %select_n3A_353 = arith.select %and3A_317, %gather3A_239, %get3A_352 : vector<16xi1>, vector<16xf32>
        %swap3A_354 = arith.index_cast %add3A_331 : i32 to index
        %swap3A_355 = tpu.vector_load %arg29[%swap3A_354] {strides = array<i32>} : memref<640xf32, #tpu.memory_space<vmem>>, vector<16xf32>,
        tpu.vector_store %arg29[%swap3A_354], %select_n3A_353 {strides = array<i32>} : memref<640xf32, #tpu.memory_space<vmem>>, vector<16xf32>,
        %get3A_356 = arith.index_cast %add3A_335 : i32 to index
        %get3A_357 = tpu.vector_load %arg29[%get3A_356] {strides = array<i32>} : memref<640xf32, #tpu.memory_space<vmem>>, vector<16xf32>,
        %broadcast_in_dim3A_358 = vector.broadcast %reduce_max3A_220 : f32 to vector<16xf32>
        %select_n3A_359 = arith.select %and3A_317, %broadcast_in_dim3A_358, %get3A_357 : vector<16xi1>, vector<16xf32>
        %swap3A_360 = arith.index_cast %add3A_335 : i32 to index
        %swap3A_361 = tpu.vector_load %arg29[%swap3A_360] {strides = array<i32>} : memref<640xf32, #tpu.memory_space<vmem>>, vector<16xf32>,
        tpu.vector_store %arg29[%swap3A_360], %select_n3A_359 {strides = array<i32>} : memref<640xf32, #tpu.memory_space<vmem>>, vector<16xf32>,
        %get3A_362 = arith.constant 0 : index
        %get3A_363 = tpu.vector_load %arg30[%get3A_362] {strides = array<i32>} : memref<16xi32, #tpu.memory_space<vmem>>, vector<16xi32>,
        %jit3A_364 = arith.constant 1 : i32
        %jit3A_365 = arith.constant 0 : i32
        %select_n3A_366 = arith.select %gt3A_231, %jit3A_364, %jit3A_365 : i32
        %add3A_367 = vector.broadcast %select_n3A_366 : i32 to vector<16xi32>
        %add3A_368 = arith.addi %get3A_363, %add3A_367 : vector<16xi32>
        %swap3A_369 = arith.constant 0 : index
        %swap3A_370 = tpu.vector_load %arg30[%swap3A_369] {strides = array<i32>} : memref<16xi32, #tpu.memory_space<vmem>>, vector<16xi32>,
        tpu.vector_store %arg30[%swap3A_369], %add3A_368 {strides = array<i32>} : memref<16xi32, #tpu.memory_space<vmem>>, vector<16xi32>,
      } else {
      }
      scf.yield %parallel_loop3A_249#0, %parallel_loop3A_249#1 : vector<16xf32>, vector<16xi32>
    }
    %scan3A_148 = arith.constant 100 : i32
    %convert_element_type3A = arith.extui %eq3A_35 : i1 to i32
    %cond3A = arith.constant 0 : i32
    %cond3A_149 = arith.cmpi ne, %convert_element_type3A, %cond3A : i32
    scf.if %cond3A_149 {
      "tpu.region"() ({
        %run_scoped3A = tpu.sem_alloc : memref<!tpu.dma_semaphore, #tpu.memory_space<semaphore_mem>>
        %dma_start3A_150 = arith.constant 0 : i32
        %dma_start3A_151 = tpu.memref_slice %arg8[%add3A, %dma_start3A_150] : memref<4x128xi32, #tpu.memory_space<hbm>> -> memref<1x128xi32, #tpu.memory_space<hbm>>
        %dma_start3A_152 = tpu.memref_squeeze %dma_start3A_151 : memref<1x128xi32, #tpu.memory_space<hbm>> -> memref<128xi32, #tpu.memory_space<hbm>>
        %dma_start3A_153 = arith.constant 0 : i32
        %dma_start3A_154 = tpu.memref_slice %arg8[%add3A, %dma_start3A_153] : memref<4x128xi32, #tpu.memory_space<hbm>> -> memref<1x128xi32, #tpu.memory_space<hbm>>
        %dma_start3A_155 = tpu.memref_squeeze %dma_start3A_154 : memref<1x128xi32, #tpu.memory_space<hbm>> -> memref<128xi32, #tpu.memory_space<hbm>>
        tpu.enqueue_dma source(%arg27 : memref<128xi32, #tpu.memory_space<vmem>>) target(%dma_start3A_155 : memref<128xi32, #tpu.memory_space<hbm>>) target_semaphore(%run_scoped3A : memref<!tpu.dma_semaphore, #tpu.memory_space<semaphore_mem>>)
        %dma_wait3A_156 = arith.constant 0 : i32
        %dma_wait3A_157 = tpu.memref_slice %arg8[%add3A, %dma_wait3A_156] : memref<4x128xi32, #tpu.memory_space<hbm>> -> memref<1x128xi32, #tpu.memory_space<hbm>>
        %dma_wait3A_158 = tpu.memref_squeeze %dma_wait3A_157 : memref<1x128xi32, #tpu.memory_space<hbm>> -> memref<128xi32, #tpu.memory_space<hbm>>
        %dma_wait3A_159 = arith.constant 0 : i32
        %dma_wait3A_160 = tpu.memref_slice %arg8[%add3A, %dma_wait3A_159] : memref<4x128xi32, #tpu.memory_space<hbm>> -> memref<1x128xi32, #tpu.memory_space<hbm>>
        %dma_wait3A_161 = tpu.memref_squeeze %dma_wait3A_160 : memref<1x128xi32, #tpu.memory_space<hbm>> -> memref<128xi32, #tpu.memory_space<hbm>>
        tpu.wait_dma2 semaphore(%run_scoped3A : memref<!tpu.dma_semaphore, #tpu.memory_space<semaphore_mem>>) src(%arg27 : memref<128xi32, #tpu.memory_space<vmem>>) dst(%dma_wait3A_161 : memref<128xi32, #tpu.memory_space<hbm>>)
        tpu.yield
      }) : () -> ()
      "tpu.region"() ({
        %run_scoped3A = tpu.sem_alloc : memref<!tpu.dma_semaphore, #tpu.memory_space<semaphore_mem>>
        %dma_start3A_150 = arith.constant 0 : i32
        %dma_start3A_151 = tpu.memref_slice %arg9[%add3A, %dma_start3A_150] : memref<4x128xi32, #tpu.memory_space<hbm>> -> memref<1x128xi32, #tpu.memory_space<hbm>>
        %dma_start3A_152 = tpu.memref_squeeze %dma_start3A_151 : memref<1x128xi32, #tpu.memory_space<hbm>> -> memref<128xi32, #tpu.memory_space<hbm>>
        %dma_start3A_153 = arith.constant 0 : i32
        %dma_start3A_154 = tpu.memref_slice %arg9[%add3A, %dma_start3A_153] : memref<4x128xi32, #tpu.memory_space<hbm>> -> memref<1x128xi32, #tpu.memory_space<hbm>>
        %dma_start3A_155 = tpu.memref_squeeze %dma_start3A_154 : memref<1x128xi32, #tpu.memory_space<hbm>> -> memref<128xi32, #tpu.memory_space<hbm>>
        tpu.enqueue_dma source(%arg28 : memref<128xi32, #tpu.memory_space<vmem>>) target(%dma_start3A_155 : memref<128xi32, #tpu.memory_space<hbm>>) target_semaphore(%run_scoped3A : memref<!tpu.dma_semaphore, #tpu.memory_space<semaphore_mem>>)
        %dma_wait3A_156 = arith.constant 0 : i32
        %dma_wait3A_157 = tpu.memref_slice %arg9[%add3A, %dma_wait3A_156] : memref<4x128xi32, #tpu.memory_space<hbm>> -> memref<1x128xi32, #tpu.memory_space<hbm>>
        %dma_wait3A_158 = tpu.memref_squeeze %dma_wait3A_157 : memref<1x128xi32, #tpu.memory_space<hbm>> -> memref<128xi32, #tpu.memory_space<hbm>>
        %dma_wait3A_159 = arith.constant 0 : i32
        %dma_wait3A_160 = tpu.memref_slice %arg9[%add3A, %dma_wait3A_159] : memref<4x128xi32, #tpu.memory_space<hbm>> -> memref<1x128xi32, #tpu.memory_space<hbm>>
        %dma_wait3A_161 = tpu.memref_squeeze %dma_wait3A_160 : memref<1x128xi32, #tpu.memory_space<hbm>> -> memref<128xi32, #tpu.memory_space<hbm>>
        tpu.wait_dma2 semaphore(%run_scoped3A : memref<!tpu.dma_semaphore, #tpu.memory_space<semaphore_mem>>) src(%arg28 : memref<128xi32, #tpu.memory_space<vmem>>) dst(%dma_wait3A_161 : memref<128xi32, #tpu.memory_space<hbm>>)
        tpu.yield
      }) : () -> ()
      "tpu.region"() ({
        %run_scoped3A = tpu.sem_alloc : memref<!tpu.dma_semaphore, #tpu.memory_space<semaphore_mem>>
        %dma_start3A_150 = arith.constant 0 : i32
        %dma_start3A_151 = tpu.memref_slice %arg10[%add3A, %dma_start3A_150] : memref<4x16xi32, #tpu.memory_space<hbm>> -> memref<1x16xi32, #tpu.memory_space<hbm>>
        %dma_start3A_152 = tpu.memref_squeeze %dma_start3A_151 : memref<1x16xi32, #tpu.memory_space<hbm>> -> memref<16xi32, #tpu.memory_space<hbm>>
        %dma_start3A_153 = arith.constant 0 : i32
        %dma_start3A_154 = tpu.memref_slice %arg10[%add3A, %dma_start3A_153] : memref<4x16xi32, #tpu.memory_space<hbm>> -> memref<1x16xi32, #tpu.memory_space<hbm>>
        %dma_start3A_155 = tpu.memref_squeeze %dma_start3A_154 : memref<1x16xi32, #tpu.memory_space<hbm>> -> memref<16xi32, #tpu.memory_space<hbm>>
        tpu.enqueue_dma source(%arg30 : memref<16xi32, #tpu.memory_space<vmem>>) target(%dma_start3A_155 : memref<16xi32, #tpu.memory_space<hbm>>) target_semaphore(%run_scoped3A : memref<!tpu.dma_semaphore, #tpu.memory_space<semaphore_mem>>)
        %dma_wait3A_156 = arith.constant 0 : i32
        %dma_wait3A_157 = tpu.memref_slice %arg10[%add3A, %dma_wait3A_156] : memref<4x16xi32, #tpu.memory_space<hbm>> -> memref<1x16xi32, #tpu.memory_space<hbm>>
        %dma_wait3A_158 = tpu.memref_squeeze %dma_wait3A_157 : memref<1x16xi32, #tpu.memory_space<hbm>> -> memref<16xi32, #tpu.memory_space<hbm>>
        %dma_wait3A_159 = arith.constant 0 : i32
        %dma_wait3A_160 = tpu.memref_slice %arg10[%add3A, %dma_wait3A_159] : memref<4x16xi32, #tpu.memory_space<hbm>> -> memref<1x16xi32, #tpu.memory_space<hbm>>
        %dma_wait3A_161 = tpu.memref_squeeze %dma_wait3A_160 : memref<1x16xi32, #tpu.memory_space<hbm>> -> memref<16xi32, #tpu.memory_space<hbm>>
        tpu.wait_dma2 semaphore(%run_scoped3A : memref<!tpu.dma_semaphore, #tpu.memory_space<semaphore_mem>>) src(%arg30 : memref<16xi32, #tpu.memory_space<vmem>>) dst(%dma_wait3A_161 : memref<16xi32, #tpu.memory_space<hbm>>)
        tpu.yield
      }) : () -> ()
      "tpu.region"() ({
        %run_scoped3A = tpu.sem_alloc : memref<!tpu.dma_semaphore, #tpu.memory_space<semaphore_mem>>
        %dma_start3A_150 = arith.constant 0 : i32
        %dma_start3A_151 = tpu.memref_slice %arg11[%add3A, %dma_start3A_150] : memref<4x640xf32, #tpu.memory_space<hbm>> -> memref<1x640xf32, #tpu.memory_space<hbm>>
        %dma_start3A_152 = tpu.memref_squeeze %dma_start3A_151 : memref<1x640xf32, #tpu.memory_space<hbm>> -> memref<640xf32, #tpu.memory_space<hbm>>
        %dma_start3A_153 = arith.constant 0 : i32
        %dma_start3A_154 = tpu.memref_slice %arg11[%add3A, %dma_start3A_153] : memref<4x640xf32, #tpu.memory_space<hbm>> -> memref<1x640xf32, #tpu.memory_space<hbm>>
        %dma_start3A_155 = tpu.memref_squeeze %dma_start3A_154 : memref<1x640xf32, #tpu.memory_space<hbm>> -> memref<640xf32, #tpu.memory_space<hbm>>
        tpu.enqueue_dma source(%arg29 : memref<640xf32, #tpu.memory_space<vmem>>) target(%dma_start3A_155 : memref<640xf32, #tpu.memory_space<hbm>>) target_semaphore(%run_scoped3A : memref<!tpu.dma_semaphore, #tpu.memory_space<semaphore_mem>>)
        %dma_wait3A_156 = arith.constant 0 : i32
        %dma_wait3A_157 = tpu.memref_slice %arg11[%add3A, %dma_wait3A_156] : memref<4x640xf32, #tpu.memory_space<hbm>> -> memref<1x640xf32, #tpu.memory_space<hbm>>
        %dma_wait3A_158 = tpu.memref_squeeze %dma_wait3A_157 : memref<1x640xf32, #tpu.memory_space<hbm>> -> memref<640xf32, #tpu.memory_space<hbm>>
        %dma_wait3A_159 = arith.constant 0 : i32
        %dma_wait3A_160 = tpu.memref_slice %arg11[%add3A, %dma_wait3A_159] : memref<4x640xf32, #tpu.memory_space<hbm>> -> memref<1x640xf32, #tpu.memory_space<hbm>>
        %dma_wait3A_161 = tpu.memref_squeeze %dma_wait3A_160 : memref<1x640xf32, #tpu.memory_space<hbm>> -> memref<640xf32, #tpu.memory_space<hbm>>
        tpu.wait_dma2 semaphore(%run_scoped3A : memref<!tpu.dma_semaphore, #tpu.memory_space<semaphore_mem>>) src(%arg29 : memref<640xf32, #tpu.memory_space<vmem>>) dst(%dma_wait3A_161 : memref<640xf32, #tpu.memory_space<hbm>>)
        tpu.yield
      }) : () -> ()
    } else {
    }
    return
  }
}

</mosaic_0001>

<sc_bundles>
// kernel: _sc_nms.3.cloned.1.call-start
scs
__scs_entry_jumppad:
0x0: {  	(pc) =	sbr.rel $0x88, $3  }
0x1: {  	(tag) =	ssettag $0x0;
	lr =	simm.s32 $0x1  }
0x2: {  	[smem:$0x3F9C] =	sst lr;
	_ =	strace $0xD0000000  }
0x3: {  	_ = 	snop  }
0x4: {  	_ = 	snop  }
0x5: {  	_ = 	snop  }
0x6: {  	_ = 	snop  }
0x7: {  	_ = 	snop  }
__scs_overlays_trampoline_lowered:
0x8: {  	[smem:$0x3FAB] =	sst s0  }
0x9: {  	[smem:$0x3FAC] =	sst s1  }
0xa: {  	[smem:$0x3FAD] =	sst s2  }
0xb: {  	[smem:$0x3FAE] =	sst s3  }
0xc: {  	[smem:$0x3FAF] =	sst s4  }
0xd: {  	[smem:$0x3FB0] =	sst s5  }
0xe: {  	[smem:$0x3FB1] =	sst s6  }
0xf: {  	[smem:$0x3FB2] =	sst s7  }
0x10: {  	[smem:$0x3FB3] =	sst s8  }
0x11: {  	[smem:$0x3FB4] =	sst s9;
	s0 =	simm.s32 @!p0 $0x0  }
0x12: {  	s1 =	sld [smem:$0x3F9A];
	s0 =	simm.s32 @p0 $0x1  }
0x13: {  	[smem:$0x3FB5] =	sst s0;
	s0 =	simm.s32 @!p1 $0x0  }
0x14: {  	s2 =	sld [smem:$0x3F99];
	s0 =	simm.s32 @p1 $0x1  }
0x15: {  	[smem:$0x3FB6] =	sst s0;
	s0 =	simm.s32 @!p2 $0x0  }
0x16: {  	s3 =	sld [smem:$0x3FDB];
	s0 =	simm.s32 @p2 $0x1  }
0x17: {  	s4 =	simm.s32 $0x1BF5;
	[smem:$0x3FB8] =	sst s0  }
0x18: {  	s0 =	sld [smem:$0x3F9B];
	_ =	swait.ge [sflag:s4], $0x0  }
0x19: {  	s7 =	sld [smem:$0x3F9C]  }
0x1a: {  	s8 =	sadd.s32 $0xFFFFE003, lr  }
0x1b: {  	s9 =	sadd.s32 $0xFFFFFEF7, lr;
	s5 =	simm.s32 $0xFFFFFFFF;
	p2 =	slt.u32 s8, $0xFFFFF086  }
0x1c: {  	p1 =	slt.u32 s9, $0xF7A;
	s5 =	simm.s32 @!p2 $0x0  }
0x1d: {  	s5 =	simm.s32 @p1 $0x1;
	p0 =	seq.s32 s7, s2  }
0x1e: {  	s7 =	smul.u32 @!p0 $0xF7A, s2;
	p2 =	seq.s32 @!p0 s5, $0x0  }
0x1f: {  	s9 =	smul.u32 $0xF7A, s1;
	s8 =	simm.s32 @!p0 $0x1BF5;
	p2 =	por !p2, p0  }
0x20: {  	[sflag:s8] =	ssyncset.s32 @!p0 $0xFFFFF086;
	s6 =	sadd.s32 @!p0 s3, s7;
	s7 =	simm.s32 @!p0 $0x108  }
0x21: {  	s3 =	sadd.s32 s3, s9;
	s6 =	sadd.s32 @!p0 $0x88, s6;
	s7 =	simm.s32 @p2 $0x1082  }
0x22: {  	[simem:s7], [sflag:s8] =	dma.local @!p0 [hbm:s6], $0xF7A  }
0x23: {  	s9 =	sor.u32 $0xD0000000, s2;
	s6 =	simm.s32 $0x108;
	_ =	swait.ge @!p0 [sflag:s8], $0x0  }
0x24: {  	s3 =	sadd.s32 $0x88, s3;
	s6 =	simm.s32 @!p1 $0x1082;
	[sflag:s4] =	ssyncset.s32 $0xFFFFF086  }
0x25: {  	[simem:s6], [sflag:s4] =	dma.local [hbm:s3], $0xF7A  }
0x26: {  	[smem:$0x3F9C] =	sst s1;
	(tag) =	ssettag s2;
	_ =	strace s9  }
0x27: {  	s1 =	sld [smem:$0x3FAC]  }
0x28: {  	s2 =	sld [smem:$0x3FAD]  }
0x29: {  	s4 =	sld [smem:$0x3FAF]  }
0x2a: {  	p0 =	seq.s32 s5, $0x0;
	s5 =	sld [smem:$0x3FB0]  }
0x2b: {  	s6 =	sld [smem:$0x3FB1]  }
0x2c: {  	s7 =	sld [smem:$0x3FB2]  }
0x2d: {  	s3 =	simm.s32 $0x108;
	s8 =	sld [smem:$0x3FB3]  }
0x2e: {  	s3 =	simm.s32 @!p0 $0x1082;
	s9 =	sld [smem:$0x3FB4]  }
0x2f: {  	lr =	sadd.s32 s0, s3;
	s0 =	sld [smem:$0x3FAB]  }
0x30: {  	s3 =	sld [smem:$0x3FAE]  }
0x31: {  	[smem:$0x3FB7] =	sst s10  }
0x32: {  	s10 =	sld [smem:$0x3FB5];
	_ =	sdelay $0x3  }
0x33: {  	p0 =	seq.s32 s10, $0x1;
	s10 =	sld [smem:$0x3FB7];
	_ =	sdelay $0x3  }
0x34: {  	[smem:$0x3FB7] =	sst s10  }
0x35: {  	s10 =	sld [smem:$0x3FB6];
	_ =	sdelay $0x3  }
0x36: {  	p1 =	seq.s32 s10, $0x1;
	s10 =	sld [smem:$0x3FB7];
	_ =	sdelay $0x3  }
0x37: {  	[smem:$0x3FB7] =	sst s10  }
0x38: {  	s10 =	sld [smem:$0x3FB8]  }
0x39: {  	_ = 	snop;
	(pc) =	sbr.ind lr, $3  }
0x3a: {  	_ = 	snop  }
0x3b: {  	_ = 	snop  }
0x3c: {  	p2 =	seq.s32 s10, $0x1;
	s10 =	sld [smem:$0x3FB7]  }
0x3d: {  	_ =	shalt  }
0x3e: {  	_ =	shalt  }
0x3f: {  	_ =	shalt  }
0x40: {  	_ =	shalt  }
0x41: {  	_ =	shalt  }
0x42: {  	_ =	shalt  }
0x43: {  	_ =	shalt  }
0x44: {  	_ =	shalt  }
0x45: {  	_ =	shalt  }
0x46: {  	_ =	shalt  }
0x47: {  	_ =	shalt  }
0x48: {  	_ =	shalt  }
0x49: {  	_ =	shalt  }
0x4a: {  	_ =	shalt  }
0x4b: {  	_ =	shalt  }
0x4c: {  	_ =	shalt  }
0x4d: {  	_ =	shalt  }
0x4e: {  	_ =	shalt  }
0x4f: {  	_ =	shalt  }
0x50: {  	_ =	shalt  }
0x51: {  	_ =	shalt  }
0x52: {  	_ =	shalt  }
0x53: {  	_ =	shalt  }
0x54: {  	_ =	shalt  }
0x55: {  	_ =	shalt  }
0x56: {  	_ =	shalt  }
0x57: {  	_ =	shalt  }
0x58: {  	_ =	shalt  }
0x59: {  	_ =	shalt  }
0x5a: {  	_ =	shalt  }
0x5b: {  	_ =	shalt  }
0x5c: {  	_ =	shalt  }
0x5d: {  	_ =	shalt  }
0x5e: {  	_ =	shalt  }
0x5f: {  	_ =	shalt  }
0x60: {  	_ =	shalt  }
0x61: {  	_ =	shalt  }
0x62: {  	_ =	shalt  }
0x63: {  	_ =	shalt  }
0x64: {  	_ =	shalt  }
0x65: {  	_ =	shalt  }
0x66: {  	_ =	shalt  }
0x67: {  	_ =	shalt  }
0x68: {  	_ =	shalt  }
0x69: {  	_ =	shalt  }
0x6a: {  	_ =	shalt  }
0x6b: {  	_ =	shalt  }
0x6c: {  	_ =	shalt  }
0x6d: {  	_ =	shalt  }
0x6e: {  	_ =	shalt  }
0x6f: {  	_ =	shalt  }
0x70: {  	_ =	shalt  }
0x71: {  	_ =	shalt  }
0x72: {  	_ =	shalt  }
0x73: {  	_ =	shalt  }
0x74: {  	_ =	shalt  }
0x75: {  	_ =	shalt  }
0x76: {  	_ =	shalt  }
0x77: {  	_ =	shalt  }
0x78: {  	_ =	shalt  }
0x79: {  	_ =	shalt  }
0x7a: {  	_ =	shalt  }
0x7b: {  	_ =	shalt  }
0x7c: {  	_ =	shalt  }
0x7d: {  	_ =	shalt  }
0x7e: {  	_ =	shalt  }
0x7f: {  	_ =	shalt  }
0x80: {  	_ =	shalt  }
0x81: {  	_ =	shalt  }
0x82: {  	_ =	shalt  }
0x83: {  	_ =	shalt  }
0x84: {  	_ =	shalt  }
0x85: {  	_ =	shalt  }
0x86: {  	_ =	shalt  }
0x87: {  	_ =	shalt  }
.Lfunc_end0:
.L_simem_size_0:
called_computation_lowered:
.L_overlay_start_0:
0x88: {  	s2 =	sld [smem:$0x3FD9]  }
0x89: {  	s3 =	sld [smem:$0x3FFE];
	_ =	sdelay $0x1  }
0x8a: {  	s1 =	srdreg.scid  }
0x8b: {  	s0 =	sand.u32 $0x1, s1  }
0x8c: {  	s30 =	sshll.u32 s0, $0xA;
	s2 =	sadd.s32 s3, s2  }
0x8d: {  	s2 =	sadd.s32 s2, s30  }
0x8e: {  	[smem:$0x3FC3] =	sst s2  }
0x8f: {  	_ = 	snop  }
0x90: {  	s2 =	sld [smem:$0x3FC9]  }
0x91: {  	s31 =	sld [smem:$0x3FC8]  }
0x92: {  	s4 =	sld [smem:$0x3FD0]  }
0x93: {  	s5 =	sld [smem:$0x3FC7]  }
0x94: {  	s6 =	sld [smem:$0x3FC6]  }
0x95: {  	s8 =	simm.s32 $0xA;
	s9 =	simm.s32 $0x10;
	s7 =	sld [smem:$0x3FC5]  }
0x96: {  	[smem:s9], [sflag:s8] =	dma.local [hbm:s4], $0x1  }
0x97: {  	_ =	swait.eq [sflag:s8], $0x1  }
0x98: {  	s16 =	sld [smem:$0x10]  }
0x99: {  	s17 =	sld [smem:$0x11];
	[sflag:s8] =	ssyncset.done $0x0  }
0x9a: {  	s10 =	sld [smem:$0x12];
	[sflag:s8] =	ssyncadd.s32 $0xFFFFFFFF  }
0x9b: {  	s18 =	sld [smem:$0x13];
	(tm) =	ssettm $0x1  }
0x9c: {  	s11 =	sld [smem:$0x3FFB];
	_ =	sdelay $0x3  }
0x9d: {  	_ =	strace s11  }
0x9e: {  	s11 =	sld [smem:$0x3FFC];
	_ =	sdelay $0x3  }
0x9f: {  	_ =	strace s11  }
0xa0: {  	s11 =	sld [smem:$0x3FFD];
	_ =	sdelay $0x3  }
0xa1: {  	_ =	strace s11  }
0xa2: {  	_ =	strace $0x8FFFFFFF  }
0xa3: {  	s19 =	sld [smem:$0x3FDB];
	_ =	sdelay $0x1  }
0xa4: {  	s12 =	simm.s32 $_scs_section_size  }
0xa5: {  	s13 =	simm.s32 $_size__tile_overlayer_lowered;
	s14 =	simm.s32 $_tile_overlayer_lowered  }
0xa6: {  	s22 =	simm.s32 $0x1BFF;
	s21 =	sshll.u32 s14, $0x1;
	s11 =	sadd.s32 s12, s19  }
0xa7: {  	s15 =	simm.s32 $0x0;
	s20 =	sshll.u32 s13, $0x1;
	s13 =	sadd.s32 s21, s11  }
0xa8: {  	[timem:s15], [sflag:s22] =	dma.local [hbm:s13], s20  }
0xa9: {  	_ =	swait.ge [sflag:s22], s20  }
0xaa: {  	s12 =	ssub.s32 $0x0, s20;
	[sflag:s22] =	ssyncset.done $0x0  }
0xab: {  	[sflag:s22] =	ssyncadd.s32 s12;
	_ =	sdelay $0x1  }
0xac: {  	s23 =	simm.s32 $0x1B8B  }
0xad: {  	_ =	swait.ge [sflag:s23], $0x1  }
0xae: {  	[sflag:s23] =	ssyncset.done $0x0  }
0xaf: {  	s25 =	simm.s32 $0x1B8E;
	s24 =	sld [smem:$0x3FFE];
	[sflag:s23] =	ssyncadd.s32 $0xFFFFFFFF  }
0xb0: {  	s26 =	simm.s32 $execute0_lowered;
	[smem:$0x3FD2] =	sst s25  }
0xb1: {  	s13 =	sshll.u32 s26, $0x1;
	_ =	strace $0x80000046;
	[dreg:$0x1] =	wrdreg $0xFFFFFFFF  }
0xb2: {  	s28 =	simm.s32 $_size_execute0_lowered;
	s11 =	sadd.s32 s11, s13;
	[dreg:$0x0] =	wrdreg $0x0  }
0xb3: {  	s13 =	sshll.u32 s28, $0x1;
	[dreg:$0x2] =	wrdreg s11  }
0xb4: {  	[dreg:$0x3] =	wrdreg s13  }
0xb5: {  	[dreg:$0x4] =	wrdreg $0xC0  }
0xb6: {  	_ =	task [dreg:s15], $0x5FFFF  }
0xb7: {  	[dreg:$0x1] =	wrdreg $0xFFFFFFFF  }
0xb8: {  	[dreg:$0x0] =	wrdreg $0x60  }
0xb9: {  	[dreg:$0x2] =	wrdreg s2  }
0xba: {  	[dreg:$0x3] =	wrdreg s31  }
0xbb: {  	[dreg:$0x4] =	wrdreg s5  }
0xbc: {  	[dreg:$0x5] =	wrdreg s6  }
0xbd: {  	[dreg:$0x6] =	wrdreg s7  }
0xbe: {  	[dreg:$0x7] =	wrdreg s24  }
0xbf: {  	[dreg:$0x8] =	wrdreg s16  }
0xc0: {  	[dreg:$0x9] =	wrdreg s17  }
0xc1: {  	[dreg:$0xa] =	wrdreg s10  }
0xc2: {  	[dreg:$0xb] =	wrdreg s18  }
0xc3: {  	[dreg:$0xc] =	wrdreg $0x64800  }
0xc4: {  	[dreg:$0xd] =	wrdreg $0x9  }
0xc5: {  	_ =	task.clear_ibuf [dreg:s15], $0xEFFFF;
	_ =	strace $0x90000046  }
0xc6: {  	s29 =	simm.s32 $0x9;
	_ =	strace $0x80000048  }
0xc7: {  	_ =	swait.ge [sflag:s29], $0x1  }
0xc8: {  	[sflag:s29] =	ssyncadd.s32 $0xFFFFFFFF  }
0xc9: {  	_ =	strace $0x90000048  }
0xca: {  	_ =	sfence  }
0xcb: {  	s30 =	sld [smem:$0x0];
	_ =	sdelay $0x2  }
0xcc: {  	s31 =	sshll.u32 s1, $0xD;
	s1 =	sshrl.u32 s1, $0x2  }
0xcd: {  	s3 =	sand.u32 $0x4000, s31;
	s1 =	sadd.s32 s1, s30  }
0xce: {  	s0 =	sor.u32 s3, s0;
	s1 =	sshll.u32 s1, $0x11  }
0xcf: {  	s0 =	sor.u32 s1, s0  }
0xd0: {  	s0 =	sadd.s32 $0x8F2B, s0  }
0xd1: {  	[sflag:s0] =	ssyncadd.remote.s32 $0x1  }
0xd2: {  	_ =	sfence.sel $0xFFFF  }
0xd3: {  	[dreg:$0x0] =	wrdreg $0xFFFFFFFF;
	(pc) =	sbr.abs _section_cstart, $3  }
0xd4: {  	[dreg:$0x1] =	wrdreg $0xFFFFFFFF  }
0xd5: {  	_ =	task.clear_ibuf [dreg:s15], $0x2FFFF;
	_ =	strace $0x9FFFFFFF  }
0xd6: {  	(tm) =	ssettm $0x7FFFFFFF  }
0xd7: {  	_ =	shalt  }
tec
execute0_lowered:
.L_overlay_start_1:
0x0: {  	(tag) =	ssettag $0x1  }
0x1: {  	s0 =	rddreg [dreg:$0x0]  }
0x2: {  	s1 =	rddreg [dreg:$0x1]  }
0x3: {  	s3 =	rddreg [dreg:$0x2]  }
0x4: {  	s4 =	rddreg [dreg:$0x3]  }
0x5: {  	s6 =	rddreg [dreg:$0x4]  }
0x6: {  	s5 =	rddreg [dreg:$0x5]  }
0x7: {  	s7 =	rddreg [dreg:$0x6]  }
0x8: {  	s8 =	rddreg [dreg:$0x7]  }
0x9: {  	s9 =	rddreg [dreg:$0x8]  }
0xa: {  	s10 =	rddreg [dreg:$0x9]  }
0xb: {  	s2 =	simm.s32 $0x0;
	s11 =	srdreg.scid;
	s18 =	stileid.u32  }
0xc: {  	s29 =	simm.s32 $0x5280;
	s30 =	simm.s32 $0x5500;
	s31 =	simm.s32 $0x5780  }
0xd: {  	[smem:$0x7FF] =	sst s2;
	s11 =	sand.u32 $0x1, s11;
	s5 =	sadd.s32 $0x600, s5  }
0xe: {  	s12 =	sshrl.u32 s18, $0x3;
	s13 =	sand.u32 $0x7, s18;
	s20 =	sshll.u32 s18, $0x7  }
0xf: {  	s18 =	simm.s32 $0x2;
	s28 =	ssub.s32 $0x2, s11;
	s11 =	sshll.u32 s11, $0x1  }
0x10: {  	_ =	strace $0x80000047;
	s15 =	smul.u32 $0xA00, s13;
	s11 =	sor.u32 s12, s11  }
0x11: {  	[dreg:$0xc] =	wrdreg s5;
	s5 =	smul.u32 $0x280, s13;
	s17 =	sshll.u32 s11, $0x4  }
0x12: {  	s21 =	sshll.u32 s12, $0xA;
	p0 =	seq.s32 s13, $0x0;
	s0 =	sadd.s32 s0, s17  }
0x13: {  	s16 =	sshll.u32 s11, $0x7;
	s1 =	sadd.s32 s1, s17;
	[dreg:$0xd] =	wrdreg s0  }
0x14: {  	s15 =	sor.u32 s15, s16;
	s16 =	sadd.s32 s3, s17;
	[dreg:$0xe] =	wrdreg s1  }
0x15: {  	s22 =	smul.u32 $0x1388, s11;
	s19 =	sadd.s32 s4, s17;
	[dreg:$0xf] =	wrdreg s16  }
0x16: {  	v5 =	vmov s13;
	s13 =	simm.s32 $0x6180;
	s14 =	sshrl.u32 s28, $0x1;
	[dreg:$0x10] =	wrdreg s19  }
0x17: {  	s12 =	simm.s32 $0x5F00;
	s23 =	sadd.s32 s7, s17;
	[dreg:$0x12] =	wrdreg s22  }
0x18: {  	s14 =	ssub.s32 s28, s14;
	s24 =	sadd.s32 s8, s17;
	[dreg:$0x13] =	wrdreg s23  }
0x19: {  	s25 =	sadd.s32 s9, s17;
	s26 =	sadd.s32 s10, s17;
	[dreg:$0x14] =	wrdreg s24  }
0x1a: {  	s28 =	smax.u32 s14, $0x1;
	s3 =	simm.s32 $0x5C80;
	[dreg:$0x15] =	wrdreg s25  }
.Ltmp0:
0x1b: {  	s14 =	simm.s32 $0x6400;
	[dreg:$0x16] =	wrdreg s26;
	(pc) =	sbr.rel .LBB2_1-.Ltmp0, $4  }
0x1c: {  	s4 =	simm.s32 $0x0;
	s0 =	sshrl.u32 s15, $0x3;
	[dreg:$0x17] =	wrdreg s28  }
0x1d: {  	v0 =	vimm.s32 $0x40000000;
	s22 =	simm.s32 $0x1400;
	s23 =	sshrl.u32 s20, $0x2;
	s24 =	sshrl.u32 s21, $0x2  }
0x1e: {  	v1 =	vimm.s32 $0x0;
	v2 =	vlaneseq.u32;
	v3 =	vimm.s32 $0x4E20;
	s25 =	simm.s32 $0x2800;
	s26 =	simm.s32 $0x3C00;
	s0 =	sadd.s32 s6, s0  }
0x1f: {  	v4 =	vimm.f32 $0.0e+00;
	vm1 =	vmxor vm1, vm1;
	vm0 =	veq.s32 v5, v2;
	s15 =	simm.s32 $0x64C0;
	[dreg:$0x11] =	wrdreg s0;
	s0 =	simm.s32 $0x5A00  }
.LBB2_16:
0x20: {  	s1 =	rddreg [dreg:$0x13];
	s4 =	simm.s32 $0x65C0  }
0x21: {  	[hbm4b:s1+s2] =	stream.linear.scatter [tilespmem:s4], [sflag:$0x2], $0x80, $0x38;
	[tilespmem:$0x6A40] =	vst v63  }
0x22: {  	_ =	swait.ge [sflag:s18], $0x80  }
0x23: {  	[sflag:s18] =	ssyncset.done $0x0  }
0x24: {  	s17 =	simm.s32 $0x6640;
	s16 =	rddreg [dreg:$0x14];
	[sflag:s18] =	ssyncadd.s32 $0xFFFFFF80  }
0x25: {  	[hbm4b:s16+s2] =	stream.linear.scatter [tilespmem:s17], [sflag:$0x2], $0x80, $0x38;
	[tilespmem:$0x6A40] =	vst v63  }
0x26: {  	_ =	swait.ge [sflag:s18], $0x80  }
0x27: {  	[sflag:s18] =	ssyncset.done $0x0  }
0x28: {  	s20 =	simm.s32 $0x6940;
	s19 =	rddreg [dreg:$0x15];
	[sflag:s18] =	ssyncadd.s32 $0xFFFFFF80  }
0x29: {  	[hbm4b:s19+s2] =	stream.linear.scatter [tilespmem:s20], [sflag:$0x2], $0x80, $0x38;
	[tilespmem:$0x6A40] =	vst v63  }
0x2a: {  	_ =	swait.ge [sflag:s18], $0x80  }
0x2b: {  	s28 =	simm.s32 $0x80;
	s6 =	simm.s32 $0x200;
	[sflag:s18] =	ssyncset.done $0x0  }
0x2c: {  	s7 =	simm.s32 $0x66C0;
	s21 =	rddreg [dreg:$0x16];
	[sflag:s18] =	ssyncadd.s32 $0xFFFFFF80  }
0x2d: {  	[hbm4b:s21+s28] =	stream.strided.scatter [tilespmem:s7], [sflag:$0x2], $0x280, s6, s28, $0x38;
	[tilespmem:$0x6A40] =	vst v63  }
0x2e: {  	_ =	swait.ge [sflag:s18], $0x280  }
0x2f: {  	[sflag:s18] =	ssyncset.done $0x0  }
0x30: {  	[sflag:s18] =	ssyncadd.s32 $0xFFFFFD80  }
.LBB2_28:
0x31: {  	s4 =	rddreg [dreg:$0x18]  }
0x32: {  	s1 =	rddreg [dreg:$0x17];
	s4 =	sadd.s32 $0x1, s4  }
0x33: {  	p1 =	sne.s32 s4, s1  }
.Ltmp1:
0x34: {  	_ = 	snop;
	(pc) =	sbr.rel @!p1 .LBB2_29-.Ltmp1, $1  }
0x35: {  	_ =	sdelay $0x3  }
.LBB2_1:
0x36: {  	[dreg:$0x18] =	wrdreg s4  }
0x37: {  	s1 =	rddreg [dreg:$0xc];
	s11 =	simm.s32 $0x69C0  }
0x38: {  	[tilespmem:s11], [sflag:$0x2] =	stream.linear.gather [hbm4b:s1+s2], $0x1, $0x38;
	[tilespmem:$0x6A40] =	vst v63  }
0x39: {  	_ =	swait.ge [sflag:s18], $0x1  }
0x3a: {  	s17 =	simm.s32 $0x80;
	s6 =	simm.s32 $0x200;
	[sflag:s18] =	ssyncset.done $0x0  }
0x3b: {  	s7 =	simm.s32 $0x1;
	s16 =	rddreg [dreg:$0xd];
	[sflag:s18] =	ssyncadd.s32 $0xFFFFFFFF  }
0x3c: {  	v5 =	vld.msk [tilespmem:$0x69C0 ss:$0x0], $0xffff;
	[tilespmem:s2], [sflag:$0x1] =	stream.strided.gather [hbm4b:s16+s17], $0x1400, s6, s17, $0x38  }
0x3d: {  	_ =	swait.ge [sflag:s7], $0x1400  }
0x3e: {  	[sflag:s7] =	ssyncset.done $0x0  }
0x3f: {  	s19 =	rddreg [dreg:$0xe];
	[sflag:s7] =	ssyncadd.s32 $0xFFFFEC00  }
0x40: {  	[tilespmem:s22], [sflag:$0x1] =	stream.strided.gather [hbm4b:s19+s17], $0x1400, s6, s17, $0x38;
	[tilespmem:$0x6A40] =	vst v63  }
0x41: {  	_ =	swait.ge [sflag:s7], $0x1400  }
0x42: {  	[sflag:s7] =	ssyncset.done $0x0  }
0x43: {  	s20 =	rddreg [dreg:$0xf];
	[sflag:s7] =	ssyncadd.s32 $0xFFFFEC00  }
0x44: {  	[tilespmem:s25], [sflag:$0x1] =	stream.strided.gather [hbm4b:s20+s17], $0x1400, s6, s17, $0x38;
	[tilespmem:$0x6A40] =	vst v63  }
0x45: {  	_ =	swait.ge [sflag:s7], $0x1400  }
0x46: {  	[sflag:s7] =	ssyncset.done $0x0  }
0x47: {  	s21 =	rddreg [dreg:$0x10];
	[sflag:s7] =	ssyncadd.s32 $0xFFFFEC00  }
0x48: {  	[tilespmem:s26], [sflag:$0x1] =	stream.strided.gather [hbm4b:s21+s17], $0x1400, s6, s17, $0x38;
	[tilespmem:$0x6A40] =	vst v63  }
0x49: {  	_ =	swait.ge [sflag:s7], $0x1400  }
0x4a: {  	[sflag:s7] =	ssyncset.done $0x0  }
0x4b: {  	s8 =	simm.s32 $0x5000;
	s28 =	rddreg [dreg:$0x11];
	[sflag:s7] =	ssyncadd.s32 $0xFFFFEC00  }
0x4c: {  	[tilespmem:s8], [sflag:$0x1] =	stream.strided.gather [hbm4b:s28+s17], $0x280, s6, s17, $0x38;
	[tilespmem:$0x6A40] =	vst v63  }
0x4d: {  	_ =	swait.ge [sflag:s7], $0x280  }
0x4e: {  	[sflag:s7] =	ssyncset.done $0x0  }
0x4f: {  	s1 =	simm.s32 $0x0;
	[sflag:s7] =	ssyncadd.s32 $0xFFFFFD80  }
.LBB2_2:
0x50: {  	p1 =	sne.s32 s1, $0x9C0  }
.Ltmp2:
0x51: {  	_ = 	snop;
	(pc) =	sbr.rel @p1 .LBB2_2-.Ltmp2, $4  }
0x52: {  	_ = 	snop  }
0x53: {  	s4 =	sshra.s32 s1, $0x2  }
0x54: {  	[tilespmem:s4+$0x5280] =	vst v5  }
0x55: {  	s1 =	sadd.s32 $0x40, s1;
	[tilespmem:s4+$0x6180] =	vst v0  }
0x56: {  	s1 =	simm.s32 $0x5000  }
0x57: {  	v6 =	vld [tilespmem:s1+$0x0];
	_ =	sdelay $0x4  }
0x58: {  	vm2 =	vge.f32 v6, $5.000000000e-01  }
0x59: {  	v7 =	vsel vm2, $0x1, v1  }
0x5a: {  	(xrf0) =	vadd.scan.msk.s32 $0xffff, v7;
	_ =	sdelay $0x1  }
0x5b: {  	s4 =	simm.s32 $0x0;
	s20 =	sadd.s32 $0x0, s5  }
0x5c: {  	s6 =	sand.u32 $0x3F80, s20;
	s7 =	sand.u32 $0x70, s4  }
0x5d: {  	s6 =	sor.u32 s7, s6  }
0x5e: {  	v8 =	vld [tilespmem:s6+$0x2800]  }
0x5f: {  	s21 =	simm.s32 $0xFFFFFFFF;
	v10 =	vld [tilespmem:s6+$0x1400];
	v9, _, _ =	vpop (xrf0)  }
0x60: {  	v12 =	vld [tilespmem:s6+$0x3C00];
	v11 =	vadd.s32 s21, v9  }
0x61: {  	v7 =	vld [tilespmem:s6+$0x0];
	_ =	sdelay $0x2  }
0x62: {  	v9 =	vxor.u32 $0x80000000, v9  }
0x63: {  	(xrf0) =	vmax.scan.msk.u32 $0xffff, v9;
	[tilespmem:v11+s29+$0x0] =	vst.idx.msk vm2, v6  }
0x64: {  	v6 =	vsub.f32 v8, v7;
	[tilespmem:v11+s30+$0x0] =	vst.idx.msk vm2, v7;
	v7 =	vsub.f32 v12, v10  }
0x65: {  	[tilespmem:v11+s31+$0x0] =	vst.idx.msk vm2, v10  }
0x66: {  	[tilespmem:v11+s0+$0x0] =	vst.idx.msk vm2, v8;
	v6 =	vmul.f32 v7, v6;
	v7 =	vor.u32 s20, v2  }
0x67: {  	[tilespmem:v11+s3+$0x0] =	vst.idx.msk vm2, v12  }
0x68: {  	[tilespmem:v11+s12+$0x0] =	vst.idx.msk vm2, v6  }
0x69: {  	[tilespmem:v11+s13+$0x0] =	vst.idx.msk vm2, v7;
	v7, _, _ =	vpop (xrf0)  }
0x6a: {  	(v2sf) =	vpush v7, $0xF  }
0x6b: {  	s28 =	simm.s32 $0x10;
	s6 =	sadd.s32 $0x10, s5  }
0x6c: {  	s7 =	sand.u32 $0x70, s28;
	s8 =	sand.u32 $0x3F80, s6  }
0x6d: {  	s1 =	sor.u32 s7, s8  }
0x6e: {  	s7 =	simm.s32 $0x5010;
	v6 =	vld [tilespmem:s1+$0x0]  }
0x6f: {  	s8 =	simm.s32 $0x20;
	v7 =	vld [tilespmem:s7+$0x0]  }
.LBB2_4:
0x70: {  	p1 =	sne.s32 s8, $0x270;
	v8 =	vld [tilespmem:s1+$0x2800]  }
0x71: {  	v9 =	vld [tilespmem:s1+$0x1400]  }
0x72: {  	v10 =	vld [tilespmem:s1+$0x3C00];
	_ =	sdelay $0x1  }
0x73: {  	vm2 =	vge.f32 v7, $5.000000000e-01  }
0x74: {  	v11 =	vsel vm2, $0x1, v1  }
0x75: {  	(xrf0) =	vadd.scan.msk.s32 $0xffff, v11;
	_ =	sdelay $0x2  }
0x76: {  	s1 =	spop (v2sf)  }
0x77: {  	s1 =	sadd.s32 s1, s4  }
0x78: {  	s4 =	sadd.s32 $0x80000000, s1  }
0x79: {  	s1 =	sadd.s32 $0xFFFFFFFF, s4;
	v11, _, _ =	vpop (xrf0)  }
0x7a: {  	v12 =	vadd.s32 s1, v11;
	v11 =	vxor.u32 $0x80000000, v11  }
0x7b: {  	(xrf0) =	vmax.scan.msk.u32 $0xffff, v11;
	_ =	sdelay $0x3  }
0x7c: {  	[tilespmem:v12+s29+$0x0] =	vst.idx.msk vm2, v7  }
0x7d: {  	v7 =	vsub.f32 v10, v9;
	[tilespmem:v12+s30+$0x0] =	vst.idx.msk vm2, v6;
	v6 =	vsub.f32 v8, v6  }
0x7e: {  	[tilespmem:v12+s31+$0x0] =	vst.idx.msk vm2, v9;
	v9, _, _ =	vpop (xrf0)  }
0x7f: {  	[tilespmem:v12+s0+$0x0] =	vst.idx.msk vm2, v8;
	v6 =	vmul.f32 v7, v6;
	(v2sf) =	vpush v9, $0xF  }
.Ltmp3:
0x80: {  	s1 =	sadd.s32 s8, s5;
	[tilespmem:v12+s3+$0x0] =	vst.idx.msk vm2, v10;
	(pc) =	sbr.rel @p1 .LBB2_4-.Ltmp3, $4  }
0x81: {  	s10 =	sand.u32 $0x70, s8;
	s9 =	sand.u32 $0x3F80, s1;
	v7 =	vor.u32 s6, v2;
	s6 =	smov.u32 s1;
	[tilespmem:v12+s12+$0x0] =	vst.idx.msk vm2, v6  }
0x82: {  	s1 =	sor.u32 s10, s9;
	[tilespmem:v12+s13+$0x0] =	vst.idx.msk vm2, v7  }
0x83: {  	s7 =	sadd.s32 $0x10, s7;
	v6 =	vld [tilespmem:s1+$0x0]  }
0x84: {  	s8 =	sadd.s32 $0x10, s8;
	v7 =	vld [tilespmem:s7+$0x0]  }
0x85: {  	_ =	sdelay $0x3  }
0x86: {  	vm2 =	vge.f32 v7, $5.000000000e-01  }
0x87: {  	v8 =	vsel vm2, $0x1, v1  }
0x88: {  	(xrf0) =	vadd.scan.msk.s32 $0xffff, v8;
	_ =	sdelay $0x5  }
0x89: {  	v8, _, _ =	vpop (xrf0)  }
0x8a: {  	v9 =	vxor.u32 $0x80000000, v8  }
0x8b: {  	(xrf0) =	vmax.scan.msk.u32 $0xffff, v9;
	_ =	sdelay $0x5  }
0x8c: {  	v9, _, _ =	vpop (xrf0)  }
0x8d: {  	(v2sf) =	vpush v9, $0xF;
	_ =	sdelay $0x1  }
0x8e: {  	s7 =	spop (v2sf)  }
0x8f: {  	s4 =	sadd.s32 s7, s4  }
0x90: {  	s4 =	sadd.s32 $0x80000000, s4  }
0x91: {  	v63 =	vld [tilespmem:s1+$0x2800];
	s21 =	sadd.s32 $0xFFFFFFFF, s4  }
0x92: {  	v10 =	vld [tilespmem:s1+$0x1400];
	v8 =	vadd.s32 s21, v8  }
0x93: {  	v11 =	vld [tilespmem:s1+$0x3C00];
	_ =	sdelay $0x3  }
0x94: {  	[tilespmem:v8+s29+$0x0] =	vst.idx.msk vm2, v7  }
0x95: {  	v7 =	vsub.f32 v11, v10;
	[tilespmem:v8+s30+$0x0] =	vst.idx.msk vm2, v6;
	v6 =	vsub.f32 v63, v6  }
0x96: {  	[tilespmem:v8+s31+$0x0] =	vst.idx.msk vm2, v10  }
0x97: {  	[tilespmem:v8+s0+$0x0] =	vst.idx.msk vm2, v63;
	v6 =	vmul.f32 v7, v6  }
0x98: {  	[tilespmem:v8+s3+$0x0] =	vst.idx.msk vm2, v11;
	s28 =	spop (v2sf)  }
0x99: {  	v7 =	vor.u32 s6, v2;
	[tilespmem:v8+s12+$0x0] =	vst.idx.msk vm2, v6;
	s1 =	sadd.s32 s28, s4  }
0x9a: {  	s6 =	simm.s32 $0x40;
	[tilespmem:v8+s13+$0x0] =	vst.idx.msk vm2, v7;
	s4 =	sadd.s32 $0x80000000, s1;
	s1 =	simm.s32 $0x0  }
.LBB2_6:
0x9b: {  	p1 =	sne.s32 s6, $0x1C0;
	[tilespmem:s1+$0x68C0] =	vst v4  }
0x9c: {  	[tilespmem:s1+$0x65C0] =	vst v1  }
.Ltmp4:
0x9d: {  	[tilespmem:s1+$0x6640] =	vst v3;
	(pc) =	sbr.rel @p1 .LBB2_6-.Ltmp4, $4  }
0x9e: {  	[tilespmem:s1+$0x66C0] =	vst v4  }
0x9f: {  	[tilespmem:s1+$0x6740] =	vst v4  }
0xa0: {  	[tilespmem:s1+$0x67C0] =	vst v4  }
0xa1: {  	[tilespmem:s1+$0x6840] =	vst v4;
	s1 =	sshra.s32 s6, $0x2;
	s6 =	sadd.s32 $0x40, s6  }
0xa2: {  	s4 =	sadd.s32 $0xF, s4  }
0xa3: {  	s6 =	sand.u32 $0xF, s4  }
0xa4: {  	s21 =	sshra.s32 s4, $0x1F;
	p2 =	slt.s32 s4, $0x1;
	p1 =	sne.s32 s6, $0x0  }
0xa5: {  	s6 =	sshrl.u32 s21, $0x1C;
	p1 =	por !p2, !p1  }
0xa6: {  	s4 =	sadd.s32 s6, s4;
	s6 =	simm.s32 $0x1;
	p1 =	por !p1, !p1  }
0xa7: {  	[tilespmem:s1+$0x68C0] =	vst v4;
	s4 =	sshra.s32 s4, $0x4;
	s6 =	simm.s32 @!p1 $0x0  }
0xa8: {  	[tilespmem:s1+$0x65C0] =	vst v1;
	s28 =	ssub.s32 s4, s6  }
0xa9: {  	[tilespmem:s1+$0x6640] =	vst v3;
	p1 =	slt.s32 s28, $0x1  }
.Ltmp5:
0xaa: {  	[tilespmem:s1+$0x66C0] =	vst v4;
	(pc) =	sbr.rel @p1 .LBB2_11-.Ltmp5, $4  }
0xab: {  	[tilespmem:s1+$0x6740] =	vst v4  }
0xac: {  	[tilespmem:s1+$0x67C0] =	vst v4  }
0xad: {  	[tilespmem:s1+$0x6840] =	vst v4  }
0xae: {  	v11 =	vimm.f32 $-3.000000010e+38;
	v12 =	vimm.s32 $0x40000000;
	[tilespmem:$0x6940] =	vst v1  }
0xaf: {  	s1 =	simm.s32 $0x5280  }
0xb0: {  	p2 =	sne.s32 s28, $0x1;
	v6 =	vld [tilespmem:s1+$0x0];
	s1 =	simm.s32 $0x6180  }
.Ltmp6:
0xb1: {  	v7 =	vld [tilespmem:s1+$0x0];
	(pc) =	sbr.rel @!p2 .LBB2_10-.Ltmp6, $2  }
0xb2: {  	_ =	sdelay $0x2  }
0xb3: {  	s4 =	sadd.s32 $0xFFFFFFFF, s28;
	s6 =	simm.s32 $0x5290;
	vm2 =	vgt.f32 v6, v11  }
.LBB2_9:
0xb4: {  	p2 =	sne.s32 s4, $0x1;
	s4 =	sadd.s32 $0xFFFFFFFF, s4;
	v11 =	vsel vm2, v6, v11;
	v6 =	vld [tilespmem:s6+$0x0];
	v12 =	vsel vm2, v7, v12;
	s1 =	sadd.s32 $0x10, s1  }
.Ltmp7:
0xb5: {  	v7 =	vld [tilespmem:s1+$0x0];
	(pc) =	sbr.rel @p2 .LBB2_9-.Ltmp7, $2  }
0xb6: {  	_ =	sdelay $0x2  }
0xb7: {  	s6 =	sadd.s32 $0x10, s6;
	vm2 =	vgt.f32 v6, v11  }
.LBB2_10:
0xb8: {  	v11 =	vsel vm2, v6, v11;
	v12 =	vsel vm2, v7, v12  }
.LBB2_11:
.Ltmp8:
0xb9: {  	(pc) =	sbr.rel .LBB2_12-.Ltmp8, $2  }
0xba: {  	_ =	sdelay $0x2  }
0xbb: {  	s4 =	simm.s32 $0x0  }
.LBB2_15:
0xbc: {  	s1 =	sand.u32 $0x70, s4  }
0xbd: {  	v13 =	vld [tilespmem:s1+$0x65C0]  }
0xbe: {  	v14 =	vld [tilespmem:s1+$0x6640]  }
0xbf: {  	s7 =	sand.u32 $0xF, s4;
	v15 =	vld [tilespmem:s1+$0x66C0]  }
0xc0: {  	s21 =	rddreg [dreg:$0x12];
	v16 =	vmov s7;
	v17 =	vld [tilespmem:s1+$0x6740]  }
0xc1: {  	vm3 =	vmmov vm1;
	s7 =	sadd.s32 s6, s21;
	s6 =	simm.s32 @!p2 $0x0;
	v63 =	vld [tilespmem:s1+$0x67C0];
	vm2 =	veq.s32 v16, v2  }
0xc2: {  	vm3 =	vmneg @p2 vm3;
	v18 =	vld [tilespmem:s1+$0x6840];
	s7 =	simm.s32 @!p2 $0x4E20;
	v13 =	vsel vm2, s6, v13  }
0xc3: {  	[tilespmem:s1+$0x65C0] =	vst v13;
	v13 =	vsel vm2, s7, v14;
	vm2 =	vmand vm2, vm3;
	v14 =	vld [tilespmem:s1+$0x68C0]  }
0xc4: {  	[tilespmem:s1+$0x6640] =	vst v13;
	v10 =	vsel vm2, v10, v15  }
0xc5: {  	v9 =	vsel vm2, v9, v17;
	[tilespmem:s1+$0x66C0] =	vst v10  }
0xc6: {  	v8 =	vsel vm2, v8, v63;
	[tilespmem:s1+$0x6740] =	vst v9  }
0xc7: {  	v7 =	vsel vm2, v7, v18;
	[tilespmem:s1+$0x67C0] =	vst v8  }
0xc8: {  	[tilespmem:s1+$0x6840] =	vst v7;
	v6 =	vsel vm2, v6, v14  }
0xc9: {  	[tilespmem:s1+$0x68C0] =	vst v6  }
0xca: {  	s4 =	sadd.s32 $0x1, s4;
	s1 =	simm.s32 $0x1;
	v6 =	vld [tilespmem:$0x6940]  }
0xcb: {  	s1 =	simm.s32 @!p2 $0x0;
	p2 =	seq.s32 s4, $0x64  }
.Ltmp9:
0xcc: {  	_ = 	snop;
	(pc) =	sbr.rel @p2 .LBB2_16-.Ltmp9, $3  }
0xcd: {  	_ =	sdelay $0x1  }
0xce: {  	v6 =	vadd.s32 s1, v6  }
0xcf: {  	[tilespmem:$0x6940] =	vst v6  }
.LBB2_12:
0xd0: {  	(xrf0) =	vmax.scan.msk.f32 $0xffff, v11;
	_ =	sdelay $0x5  }
0xd1: {  	v6, _, _ =	vpop (xrf0)  }
0xd2: {  	v6 =	vbroadcast v6, $0xF;
	_ =	sdelay $0x1  }
0xd3: {  	v7 =	vxor.u32 $0x80000000, v12;
	vm2 =	veq.f32 v11, v6  }
0xd4: {  	v7 =	vnsel vm2, $0xC0000000, v7  }
0xd5: {  	(xrf0) =	vmin.scan.msk.u32 $0xffff, v7;
	_ =	sdelay $0x5  }
0xd6: {  	v7, _, _ =	vpop (xrf0)  }
0xd7: {  	(v2sf) =	vpush v7, $0xF;
	_ =	sdelay $0xe  }
0xd8: {  	s1 =	spop (v2sf)  }
0xd9: {  	s1 =	sxor.u32 $0x80000000, s1  }
0xda: {  	s1 =	scvt.s32.f32 s1  }
0xdb: {  	s6 =	sshll.u32 s4, $0x9  }
0xdc: {  	s19 =	rddreg [dreg:$0xa];
	s6 =	sand.u32 $0x200, s6;
	v6 =	vnsel vm0, $0xFF61B1E6, v6;
	v7 =	vmov s1  }
0xdd: {  	[tilespmem:$0x6400] =	vst v6;
	s1 =	sadd.s32 s6, s19;
	v6 =	vnsel vm0, $0x7F61B1E6, v7  }
0xde: {  	s6 =	sadd.s32 s23, s1;
	[tilespmem:$0x6410] =	vst v6  }
0xdf: {  	[spmem:s6] =	stream.linear.scatter [tilespmem:s14], [sflag:$0x2], $0x20, $0x38;
	[tilespmem:$0x6A40] =	vst v63  }
0xe0: {  	_ =	swait.ge [sflag:s18], $0x20  }
0xe1: {  	[sflag:s18] =	ssyncset.done $0x0  }
0xe2: {  	[sflag:s18] =	ssyncadd.s32 $0xFFFFFFE0  }
0xe3: {  	s1 =	sadd.s32 s24, s1;
	[bflag:$0x0] =	sbarrier.arrive $0xFFFF  }
0xe4: {  	[tilespmem:s15], [sflag:$0x2] =	stream.linear.gather [spmem:s1], $0x100, $0x38;
	[tilespmem:$0x6A40] =	vst v63  }
0xe5: {  	_ =	swait.ge [sflag:s18], $0x100  }
0xe6: {  	[sflag:s18] =	ssyncset.done $0x0  }
0xe7: {  	[sflag:s18] =	ssyncadd.s32 $0xFFFFFF00  }
0xe8: {  	v6 =	vld [tilespmem:$0x64C0]  }
0xe9: {  	v7 =	vld [tilespmem:$0x64E0]  }
0xea: {  	v8 =	vld [tilespmem:$0x6500]  }
0xeb: {  	v9 =	vld [tilespmem:$0x6520]  }
0xec: {  	v10 =	vld [tilespmem:$0x6540]  }
0xed: {  	v11 =	vld [tilespmem:$0x6560];
	v6 =	vmax.f32 v6, $-3.000000010e+38  }
0xee: {  	v6 =	vmax.f32 v6, v7;
	v7 =	vld [tilespmem:$0x6580]  }
0xef: {  	v6 =	vmax.f32 v6, v8;
	v8 =	vld [tilespmem:$0x65A0]  }
0xf0: {  	v6 =	vmax.f32 v6, v9  }
0xf1: {  	v9 =	vld [tilespmem:$0x64D0];
	v6 =	vmax.f32 v6, v10  }
0xf2: {  	v10 =	vld [tilespmem:$0x64F0];
	v6 =	vmax.f32 v6, v11  }
0xf3: {  	v6 =	vmax.f32 v6, v7;
	v7 =	vld [tilespmem:$0x6510]  }
0xf4: {  	v8 =	vmax.f32 v6, v8  }
0xf5: {  	v6 =	vld [tilespmem:$0x6530];
	(xrf0) =	vmax.scan.msk.f32 $0xffff, v8  }
0xf6: {  	v11 =	vld [tilespmem:$0x6550];
	v9 =	vmin.f32 v9, $3.000000010e+38  }
0xf7: {  	v63 =	vld [tilespmem:$0x6570];
	v9 =	vmin.f32 v9, v10  }
0xf8: {  	v10 =	vld [tilespmem:$0x6590];
	v7 =	vmin.f32 v9, v7  }
0xf9: {  	v9 =	vld [tilespmem:$0x65B0]  }
0xfa: {  	v6 =	vmin.f32 v7, v6  }
0xfb: {  	v6 =	vmin.f32 v6, v11;
	v7, _, _ =	vpop (xrf0)  }
0xfc: {  	v11 =	vmin.f32 v6, v63;
	v6 =	vbroadcast v7, $0xF  }
0xfd: {  	v10 =	vmin.f32 v11, v10  }
0xfe: {  	v9 =	vmin.f32 v10, v9;
	vm2 =	veq.f32 v8, v6  }
0xff: {  	v8 =	vnsel vm2, $0x7F61B1E6, v9  }
0x100: {  	(xrf0) =	vmin.scan.msk.f32 $0xffff, v8;
	_ =	sdelay $0x5  }
0x101: {  	(v2sf) =	vpush v7, $0xF;
	v7, _, _ =	vpop (xrf0)  }
0x102: {  	(v2sf) =	vpush v7, $0xF;
	_ =	sdelay $0xd  }
0x103: {  	s20 =	spop (v2sf)  }
0x104: {  	s21 =	spop (v2sf)  }
0x105: {  	s6 =	scvt.f32.s32 s21;
	_ =	sdelay $0x1  }
0x106: {  	v11 =	vmov s6;
	_ =	sdelay $0x3  }
.Ltmp10:
0x107: {  	_ = 	snop;
	(pc) =	sbr.rel @p1 .LBB2_13-.Ltmp10, $4  }
0x108: {  	v10 =	vld.idx.msk [tilespmem:v11+s2+$0x0], $0xffff  }
0x109: {  	v9 =	vld.idx.msk [tilespmem:v11+s22+$0x0], $0xffff  }
0x10a: {  	v8 =	vld.idx.msk [tilespmem:v11+s25+$0x0], $0xffff  }
0x10b: {  	p2 =	sgt.f32 s20, $-5.000000000e+08;
	v7 =	vld.idx.msk [tilespmem:v11+s26+$0x0], $0xffff  }
0x10c: {  	_ = 	snop  }
0x10d: {  	p6 =	seq.s32 s28, $0x1  }
.Ltmp11:
0x10e: {  	s11 =	simm.s32 $0x5500;
	(pc) =	sbr.rel @p6 .LBB2_18-.Ltmp11, $4  }
0x10f: {  	s10 =	simm.s32 $0x5780;
	v15 =	vld [tilespmem:s11+$0x0]  }
0x110: {  	s7 =	simm.s32 $0x5280;
	s1 =	simm.s32 $0x5A00;
	s16 =	simm.s32 $0x5C80;
	v17 =	vld [tilespmem:s10+$0x0];
	v13 =	vsub.f32 v8, v10;
	v14 =	vsub.f32 v7, v9  }
0x111: {  	vm2 =	vmmov vm1;
	v12 =	vimm.f32 $-3.000000010e+38;
	s9 =	simm.s32 $0x5F00;
	s8 =	simm.s32 $0x6180;
	p3 =	por $0x0, $0x0;
	v20 =	vld [tilespmem:s1+$0x0]  }
0x112: {  	p4 =	por $0x0, $0x0;
	p5 =	por $0x0, $0x0;
	vm2 =	vmneg @p2 vm2;
	s1 =	sadd.s32 $0xFFFFFFFF, s28;
	v16 =	vld [tilespmem:s16+$0x0];
	v14 =	vmul.f32 v14, v13;
	v13 =	vimm.s32 $0x40000000  }
0x113: {  	_ = 	snop  }
0x114: {  	p6 =	seq.s32 s1, $0x1  }
.Ltmp12:
0x115: {  	v21 =	vld [tilespmem:s9+$0x0];
	s10 =	simm.s32 $0x5510;
	(pc) =	sbr.rel @p6 .LBB2_20-.Ltmp12, $4  }
0x116: {  	s19 =	simm.s32 $0x5790;
	v18 =	vmax.f32 v10, v15;
	v15 =	vld [tilespmem:s10+$0x0];
	v20 =	vmin.f32 v8, v20  }
0x117: {  	s20 =	simm.s32 $0x5A10;
	v19 =	vmax.f32 v9, v17;
	v17 =	vld [tilespmem:s19+$0x0];
	v18 =	vsub.f32 v20, v18  }
0x118: {  	s21 =	simm.s32 $0x5C90;
	v16 =	vmin.f32 v7, v16;
	v20 =	vld [tilespmem:s20+$0x0]  }
0x119: {  	s1 =	sadd.s32 $0xFFFFFFFF, s1;
	p3 =	por $0x1, $0x1;
	v27 =	vsub.f32 v16, v19;
	v16 =	vld [tilespmem:s21+$0x0];
	v28 =	vmax.f32 v18, $0.0e+00  }
0x11a: {  	_ = 	snop  }
0x11b: {  	v19 =	vld [tilespmem:s8+$0x0];
	s16 =	simm.s32 $0x5F10;
	p6 =	seq.s32 s1, $0x1;
	v18 =	vmax.f32 v27, $0.0e+00  }
.Ltmp13:
0x11c: {  	v22 =	vadd.f32 v21, v14;
	s10 =	simm.s32 $0x5520;
	v21 =	vld [tilespmem:s16+$0x0];
	v18 =	vmul.f32 v18, v28;
	(pc) =	sbr.rel @p6 .LBB2_22-.Ltmp13, $4  }
0x11d: {  	s19 =	simm.s32 $0x57A0;
	v23 =	vmax.f32 v10, v15;
	v15 =	vld [tilespmem:s10+$0x0];
	v20 =	vmin.f32 v8, v20  }
0x11e: {  	s20 =	simm.s32 $0x5A20;
	v24 =	vmax.f32 v9, v17;
	v17 =	vld [tilespmem:s19+$0x0];
	v22 =	vsub.f32 v22, v18;
	v23 =	vsub.f32 v20, v23  }
0x11f: {  	s21 =	simm.s32 $0x5CA0;
	v16 =	vmin.f32 v7, v16;
	v20 =	vld [tilespmem:s20+$0x0]  }
0x120: {  	s1 =	sadd.s32 $0xFFFFFFFF, s1;
	p4 =	por $0x1, $0x1;
	v27 =	vsub.f32 v16, v24;
	v16 =	vld [tilespmem:s21+$0x0];
	v22 =	vadd.f32 $9.999999930e-09, v22;
	v28 =	vmax.f32 v23, $0.0e+00  }
0x121: {  	_ = 	snop  }
0x122: {  	v25 =	vld [tilespmem:s7+$0x0];
	s19 =	simm.s32 $0x6190;
	vm3 =	veq.s32 v19, v11;
	v23 =	vmax.f32 v27, $0.0e+00;
	v26 =	vmul.f32 $6.999999880e-01, v22  }
0x123: {  	s16 =	simm.s32 $0x5F20;
	p6 =	seq.s32 s1, $0x1;
	v27 =	vadd.f32 v21, v14;
	v24 =	vld [tilespmem:s19+$0x0];
	v23 =	vmul.f32 v23, v28;
	v28 =	vmax.f32 v10, v15  }
.Ltmp14:
0x124: {  	s20 =	simm.s32 $0x5530;
	v21 =	vld [tilespmem:s16+$0x0];
	v29 =	vmax.f32 v9, v17;
	vm4 =	vgt.f32 v18, v26;
	v17 =	vmin.f32 v8, v20;
	(pc) =	sbr.rel @p6 .LBB2_24-.Ltmp14, $4  }
0x125: {  	s17 =	simm.s32 $0x57B0;
	v15 =	vld [tilespmem:s20+$0x0];
	v26 =	vsub.f32 v27, v23;
	vm3 =	vmor vm3, vm4;
	v16 =	vmin.f32 v7, v16  }
0x126: {  	s21 =	simm.s32 $0x5A30;
	v28 =	vsub.f32 v17, v28;
	v17 =	vld [tilespmem:s17+$0x0];
	vm3 =	vmand vm2, vm3;
	v27 =	vsub.f32 v16, v29  }
0x127: {  	s11 =	simm.s32 $0x5CB0;
	v20 =	vld [tilespmem:s21+$0x0];
	v29 =	vimm.f32 $-3.000000010e+38;
	v30 =	vadd.f32 $9.999999930e-09, v26;
	v31 =	vsel vm3, v5, v25  }
0x128: {  	s1 =	sadd.s32 $0xFFFFFFFF, s1;
	s10 =	simm.s32 $0x5290;
	p5 =	por $0x1, $0x1;
	v16 =	vld [tilespmem:s11+$0x0];
	v28 =	vmax.f32 v28, $0.0e+00;
	v25 =	vmovc v19;
	v26 =	vimm.s32 $0x40000000;
	[tilespmem:s7+$0x0] =	vst v31;
	vm3 =	vgt.f32 v31, v12  }
.LBB2_25:
0x129: {  	p6 =	seq.s32 s1, $0x1;
	v27 =	vmax.f32 v27, $0.0e+00;
	v32 =	vld [tilespmem:s10+$0x0];
	v30 =	vmul.f32 $6.999999880e-01, v30;
	s19 =	sadd.s32 $0x10, s19;
	v29 =	vsel vm3, v31, v29;
	v33 =	vmovc v24  }
0x12a: {  	s16 =	sadd.s32 $0x10, s16;
	v27 =	vmul.f32 v27, v28;
	v28 =	vadd.f32 v21, v14;
	v24 =	vld [tilespmem:s19+$0x0];
	vm4 =	veq.s32 v33, v11  }
.Ltmp15:
0x12b: {  	s20 =	sadd.s32 $0x10, s20;
	v31 =	vmax.f32 v10, v15;
	v34 =	vmax.f32 v9, v17;
	v21 =	vld [tilespmem:s16+$0x0];
	vm5 =	vgt.f32 v23, v30;
	(pc) =	sbr.rel @!p6 .LBB2_25-.Ltmp15, $4  }
0x12c: {  	s17 =	sadd.s32 $0x10, s17;
	v15 =	vld [tilespmem:s20+$0x0];
	v20 =	vmin.f32 v8, v20;
	v28 =	vsub.f32 v28, v27;
	vm4 =	vmor vm4, vm5;
	v23 =	vmovc v27  }
0x12d: {  	s21 =	sadd.s32 $0x10, s21;
	v17 =	vld [tilespmem:s17+$0x0];
	v16 =	vmin.f32 v7, v16;
	v35 =	vsub.f32 v20, v31;
	vm4 =	vmand vm2, vm4  }
0x12e: {  	s11 =	sadd.s32 $0x10, s11;
	v20 =	vld [tilespmem:s21+$0x0];
	v27 =	vsub.f32 v16, v34;
	v30 =	vadd.f32 $9.999999930e-09, v28;
	v31 =	vsel vm4, v5, v32  }
0x12f: {  	s1 =	sadd.s32 $0xFFFFFFFF, s1;
	v26 =	vsel vm3, v25, v26;
	v25 =	vmovc v33;
	v16 =	vld [tilespmem:s11+$0x0];
	v28 =	vmax.f32 v35, $0.0e+00;
	[tilespmem:s10+$0x0] =	vst v31;
	s10 =	sadd.s32 $0x10, s10;
	vm3 =	vgt.f32 v31, v29  }
.LBB2_26:
0x130: {  	s1 =	sadd.s32 @p3 $0x10, s16  }
0x131: {  	v27 =	vmax.f32 @p3 v27, $0.0e+00;
	v32 =	vld @p4 [tilespmem:s10+$0x0];
	v30 =	vmul.f32 @p4 $6.999999880e-01, v30;
	s11 =	sadd.s32 @p4 $0x10, s19;
	v21 =	vadd.f32 @p3 v21, v14;
	s16 =	simm.s32 $0x6180;
	s9 =	smov.u32 @p3 s1  }
0x132: {  	vm4 =	veq.s32 @p4 v24, v11;
	v27 =	vmul.f32 @p3 v27, v28;
	v15 =	vmax.f32 v10, v15;
	s16 =	smov.u32 @p4 s11;
	s1 =	sadd.s32 @p4 $0x10, s10;
	v60 =	vld [tilespmem:s9+$0x0];
	s9 =	simm.s32 $0x5280  }
0x133: {  	v17 =	vmax.f32 v9, v17;
	vm5 =	vgt.f32 @p4 v23, v30;
	v23 =	vld @p3 [tilespmem:s16+$0x0];
	v20 =	vmin.f32 v8, v20;
	s9 =	smov.u32 @p4 s1;
	s1 =	sadd.s32 @p3 $0x10, s16  }
0x134: {  	v21 =	vsub.f32 @p3 v21, v27;
	vm4 =	vmor @p4 vm4, vm5;
	v16 =	vmin.f32 v7, v16;
	s8 =	smov.u32 @p3 s1  }
0x135: {  	v15 =	vsub.f32 v20, v15;
	vm4 =	vmand @p4 vm2, vm4;
	v16 =	vsub.f32 v16, v17;
	v61 =	vld [tilespmem:s8+$0x0]  }
0x136: {  	v29 =	vsel @p5 vm3, v31, v29;
	v17 =	vadd.f32 @p3 $9.999999930e-09, v21;
	v20 =	vsel @p4 vm4, v5, v32  }
0x137: {  	v21 =	vpsel p5, v29, v12;
	v15 =	vmax.f32 v15, $0.0e+00;
	v16 =	vmax.f32 v16, $0.0e+00  }
0x138: {  	v14 =	vadd.f32 v60, v14;
	v19 =	vpsel p3, v23, v19;
	v15 =	vmul.f32 v16, v15  }
0x139: {  	vm4 =	vgt.f32 @p4 v20, v21;
	v17 =	vpsel p3, v17, v22;
	v22 =	vsel @p5 vm3, v25, v26  }
0x13a: {  	v23 =	vld @p3 [tilespmem:s9+$0x0];
	v17 =	vmul.f32 @p3 $6.999999880e-01, v17;
	v16 =	vmovc @p3 v27;
	v14 =	vsub.f32 v14, v15;
	vm14 =	veq.s32 v61, v11  }
0x13b: {  	vm3 =	vmmov @p4 vm4;
	v16 =	vpsel p3, v16, v18;
	v18 =	vmovc @p3 v19;
	v19 =	vmovc @p4 v24;
	v24 =	vpsel p4, v20, v0  }
0x13c: {  	s1 =	sadd.s32 @p3 $0x10, s9;
	vm4 =	veq.s32 @p3 v18, v11;
	vm5 =	vgt.f32 @p3 v16, v17;
	v14 =	vadd.f32 $9.999999930e-09, v14  }
0x13d: {  	s7 =	smov.u32 @p3 s1;
	v16 =	vpsel p4, v19, v0;
	v17 =	vpsel p5, v22, v13;
	vm4 =	vmor @p3 vm4, vm5  }
0x13e: {  	v62 =	vld [tilespmem:s7+$0x0];
	v19 =	vsel @p4 vm3, v24, v21;
	vm4 =	vmand @p3 vm2, vm4;
	v14 =	vmul.f32 $6.999999880e-01, v14  }
0x13f: {  	v19 =	vpsel p4, v19, v12;
	v16 =	vsel @p4 vm3, v16, v17;
	v21 =	vsel @p3 vm4, v5, v23  }
0x140: {  	v17 =	vmovc @p3 v18;
	vm4 =	vgt.f32 @p3 v21, v19;
	vm15 =	vgt.f32 v15, v14;
	v11 =	vpsel p3, v21, v0  }
.Ltmp16:
0x141: {  	v14 =	vpsel p3, v17, v0;
	vm3 =	vmmov @p3 vm4;
	vm4 =	vmor vm14, vm15;
	(pc) =	sbr.rel .LBB2_14-.Ltmp16, $4  }
0x142: {  	v15 =	vpsel p4, v16, v13;
	v11 =	vsel @p3 vm3, v11, v19;
	vm2 =	vmand vm2, vm4  }
0x143: {  	[tilespmem:s10+$0x0] =	vst @p4 v20;
	v63 =	vsel vm2, v5, v62;
	v11 =	vpsel p3, v11, v12;
	v12 =	vsel @p3 vm3, v14, v15  }
0x144: {  	[tilespmem:s9+$0x0] =	vst @p3 v21;
	vm2 =	vgt.f32 v63, v11;
	v12 =	vpsel p3, v12, v13  }
0x145: {  	[tilespmem:s7+$0x0] =	vst v63;
	v11 =	vsel vm2, v63, v11;
	v12 =	vsel vm2, v61, v12  }
.LBB2_13:
0x146: {  	v11 =	vimm.f32 $-3.000000010e+38;
	v12 =	vimm.s32 $0x40000000  }
.LBB2_14:
.Ltmp17:
0x147: {  	(pc) =	sbr.rel @p0 .LBB2_15-.Ltmp17, $1  }
0x148: {  	_ =	sdelay $0x3  }
0x149: {  	s4 =	sadd.s32 $0x1, s4  }
0x14a: {  	p2 =	seq.s32 s4, $0x64  }
.Ltmp18:
0x14b: {  	_ = 	snop;
	(pc) =	sbr.rel @!p2 .LBB2_12-.Ltmp18, $4  }
.Ltmp19:
0x14c: {  	_ = 	snop;
	(pc) =	sbr.rel @p2 .LBB2_28-.Ltmp19, $4  }
0x14d: {  	_ = 	snop  }
0x14e: {  	_ = 	snop  }
0x14f: {  	_ = 	snop  }
0x150: {  	_ = 	snop  }
.LBB2_18:
.Ltmp20:
0x151: {  	(pc) =	sbr.rel .LBB2_26-.Ltmp20, $3  }
0x152: {  	_ =	sdelay $0x1  }
0x153: {  	s10 =	simm.s32 $0x5280  }
0x154: {  	s19 =	simm.s32 $0x6180;
	v29 =	vimm.f32 $-3.000000010e+38;
	s16 =	simm.s32 $0x5F00;
	v26 =	vimm.s32 $0x40000000  }
.LBB2_20:
.Ltmp21:
0x155: {  	(pc) =	sbr.rel .LBB2_26-.Ltmp21, $3  }
0x156: {  	_ =	sdelay $0x1  }
0x157: {  	s10 =	simm.s32 $0x5280  }
0x158: {  	s19 =	simm.s32 $0x6180;
	v29 =	vimm.f32 $-3.000000010e+38;
	s16 =	simm.s32 $0x5F00;
	v26 =	vimm.s32 $0x40000000  }
.LBB2_22:
.Ltmp22:
0x159: {  	(pc) =	sbr.rel .LBB2_26-.Ltmp22, $2  }
0x15a: {  	_ =	sdelay $0x2  }
0x15b: {  	s10 =	simm.s32 $0x5280;
	s19 =	simm.s32 $0x6180;
	v29 =	vimm.f32 $-3.000000010e+38;
	v24 =	vmovc v19;
	v23 =	vmovc v18;
	v26 =	vimm.s32 $0x40000000;
	v30 =	vmov v22  }
.LBB2_24:
.Ltmp23:
0x15c: {  	(pc) =	sbr.rel .LBB2_26-.Ltmp23, $2  }
0x15d: {  	_ =	sdelay $0x2  }
0x15e: {  	v29 =	vimm.f32 $-3.000000010e+38;
	v25 =	vmov v19;
	v26 =	vimm.s32 $0x40000000  }
.LBB2_29:
0x15f: {  	_ =	sfence.sel $0x180000  }
0x160: {  	[bflag:$0x0] =	sbarrier.arrive $0xFFFF  }
0x161: {  	_ =	strace $0x90000047  }
0x162: {  	s0 =	stileid.u32;
	[bflag:$0x2] =	sbarrier.arrive $0xFFFF  }
0x163: {  	p0 =	sne.s32 s0, $0x0;
	s0 =	rddreg [dreg:$0xb]  }
0x164: {  	s0 =	sadd.s32 @!p0 $0x100000, s0  }
0x165: {  	[sflag:s0] =	ssyncadd.tile.s32 @!p0 $0x1;
	_ =	shalt  }
.Lfunc_end2:
_tile_overlayer_lowered:
.L_overlay_start_2:
0x166: {  	(tag) =	ssettag $0x2  }
0x167: {  	s0 =	rddreg [dreg:$0x0];
	s2 =	stileid.u32  }
0x168: {  	s1 =	rddreg [dreg:$0x1];
	p0 =	sne.s32 s2, $0x0  }
0x169: {  	s3 =	rddreg [dreg:$0x2];
	[bflag:$0x3] =	sbarrier.arrive $0xFFFF;
	s2 =	simm.s32 @!p0 $0x1C02  }
0x16a: {  	[timem:s3], [sflag:s2] =	dma.local @!p0 [hbm:s0], s1  }
0x16b: {  	s0 =	simm.s32 @!p0 $0x2  }
0x16c: {  	_ =	swait.ge @!p0 [sflag:s0], s1  }
0x16d: {  	s1 =	ssub.s32 @!p0 $0x0, s1;
	[sflag:s0] =	ssyncset.done @!p0 $0x0  }
0x16e: {  	[sflag:s0] =	ssyncadd.s32 @!p0 s1  }
0x16f: {  	[bflag:$0x3] =	sbarrier.arrive $0xFFFF  }
0x170: {  	_ =	shalt  }

</sc_bundles>
